<compile_context>
chip_gen: v7x
topology: tpu7x:2x2x1
jax: 0.10.2.dev20260603
libtpu: 0.0.44.dev20260713+nightly
codegen_flags: <defaults>
</compile_context>

<pallas_src>
import functools

import jax
import jax.numpy as jnp
from jax import lax
from jax.experimental import pallas as pl
from jax.experimental.pallas import tpu as pltpu
from jax.experimental.pallas import tpu_sc as plsc

N = 10000
E = 320000
D = 128

NC = 2
NS = 16
ROWS_PER_TILE = 640
LAST_ROWS = N - ROWS_PER_TILE * (NS - 1)
EDGES_PER_SC = E // NC
EDGES_PER_TILE = E // (NC * NS)

K_DEG = 2000
CH_DEG = EDGES_PER_TILE // K_DEG
K_AGG = 80
CH_AGG = EDGES_PER_TILE // K_AGG
NBUF = 8

_sc_mesh = plsc.VectorSubcoreMesh(core_axis_name="c", subcore_axis_name="s")


def _tile_slice_copy(s, src, dst):
    r0 = s * ROWS_PER_TILE

    @pl.when(s == NS - 1)
    def _():
        pltpu.sync_copy(src.at[pl.ds(r0, LAST_ROWS)],
                        dst.at[pl.ds(r0, LAST_ROWS)])

    @pl.when(s != NS - 1)
    def _():
        pltpu.sync_copy(src.at[pl.ds(r0, ROWS_PER_TILE)],
                        dst.at[pl.ds(r0, ROWS_PER_TILE)])


@functools.partial(
    pl.kernel,
    out_type=jax.ShapeDtypeStruct((NC, N, 16), jnp.float32),
    mesh=_sc_mesh,
    scratch_types=[
        pltpu.VMEM_SHARED((N, 16), jnp.float32),
        pltpu.VMEM((K_DEG,), jnp.int32),
        pltpu.VMEM((K_DEG,), jnp.int32),
        pltpu.VMEM((K_DEG, 16), jnp.float32),
        pltpu.SemaphoreType.DMA,
        pltpu.SemaphoreType.DMA,
    ],
    compiler_params=pltpu.CompilerParams(use_tc_tiling_on_sc=False),
)
def _deg_kernel(dst_hbm, ones_hbm, zeros_hbm, degp_hbm,
                acc, idx0, idx1, ones_v, is0, is1):
    c = lax.axis_index("c")
    s = lax.axis_index("s")
    idx = (idx0, idx1)
    isem = (is0, is1)
    base = c * EDGES_PER_SC + s * EDGES_PER_TILE

    def fire(ci, b):
        pltpu.make_async_copy(
            dst_hbm.at[pl.ds(base + ci * K_DEG, K_DEG)], idx[b],
            isem[b]).start()

    def wait(b):
        pltpu.make_async_copy(
            dst_hbm.at[pl.ds(base, K_DEG)], idx[b], isem[b]).wait()

    fire(0, 0)
    fire(1, 1)
    pltpu.sync_copy(ones_hbm, ones_v)
    _tile_slice_copy(s, zeros_hbm, acc)
    plsc.subcore_barrier()

    def body(j, carry):
        a = 2 * j
        wait(0)
        pltpu.sync_copy(ones_v, acc.at[idx[0]], add=True)

        @pl.when(a + 2 < CH_DEG)
        def _():
            fire(a + 2, 0)

        wait(1)
        pltpu.sync_copy(ones_v, acc.at[idx[1]], add=True)

        @pl.when(a + 3 < CH_DEG)
        def _():
            fire(a + 3, 1)

        return carry

    lax.fori_loop(0, CH_DEG // 2, body, 0)
    wait(0)
    pltpu.sync_copy(ones_v, acc.at[idx[0]], add=True)
    plsc.subcore_barrier()
    _tile_slice_copy(s, acc, degp_hbm.at[c])


@functools.partial(
    pl.kernel,
    out_type=jax.ShapeDtypeStruct((NC, N, D), jnp.bfloat16),
    mesh=_sc_mesh,
    scratch_types=(
        [pltpu.VMEM_SHARED((N, D), jnp.bfloat16)]
        + [pltpu.VMEM((K_AGG,), jnp.int32)] * (2 * NBUF)
        + [pltpu.VMEM((K_AGG, D), jnp.bfloat16)] * NBUF
        + [pltpu.SemaphoreType.DMA] * (3 * NBUF)
    ),
    compiler_params=pltpu.CompilerParams(use_tc_tiling_on_sc=False),
)
def _agg_kernel(src_hbm, dst_hbm, hprime_hbm, q_hbm, acc, *bufs):
    c = lax.axis_index("c")
    s = lax.axis_index("s")
    sidx = bufs[0:NBUF]
    didx = bufs[NBUF:2 * NBUF]
    rows = bufs[2 * NBUF:3 * NBUF]
    ssem = bufs[3 * NBUF:4 * NBUF]
    dsem = bufs[4 * NBUF:5 * NBUF]
    gsem = bufs[5 * NBUF:6 * NBUF]
    base = c * EDGES_PER_SC + s * EDGES_PER_TILE

    def fire_idx(ci, b):
        off = base + ci * K_AGG
        pltpu.make_async_copy(
            src_hbm.at[pl.ds(off, K_AGG)], sidx[b], ssem[b]).start()
        pltpu.make_async_copy(
            dst_hbm.at[pl.ds(off, K_AGG)], didx[b], dsem[b]).start()

    def wait_idx(b):
        pltpu.make_async_copy(
            src_hbm.at[pl.ds(base, K_AGG)], sidx[b], ssem[b]).wait()
        pltpu.make_async_copy(
            dst_hbm.at[pl.ds(base, K_AGG)], didx[b], dsem[b]).wait()

    def fire_gather(b):
        pltpu.make_async_copy(
            hprime_hbm.at[sidx[b]], rows[b], gsem[b]).start()

    def wait_gather(b):
        pltpu.make_async_copy(
            hprime_hbm.at[sidx[b]], rows[b], gsem[b]).wait()

    def scatter(b):
        pltpu.sync_copy(rows[b], acc.at[didx[b]], add=True)

    for b in range(NBUF):
        fire_idx(b, b)
    _tile_slice_copy(s, hprime_hbm, acc)
    plsc.subcore_barrier()
    for b in range(NBUF - 2):
        wait_idx(b)
        fire_gather(b)

    def body(j, carry):
        a = NBUF * j
        for k in range(NBUF):
            ci = a + k
            wait_gather(k)
            scatter(k)

            @pl.when(ci + NBUF < CH_AGG)
            def _():
                fire_idx(ci + NBUF, k)

            @pl.when(ci + NBUF - 2 < CH_AGG)
            def _():
                wait_idx((k + NBUF - 2) % NBUF)
                fire_gather((k + NBUF - 2) % NBUF)

        return carry

    lax.fori_loop(0, CH_AGG // NBUF, body, 0)
    for t in range(CH_AGG - (CH_AGG // NBUF) * NBUF):
        wait_gather(t)
        scatter(t)

    plsc.subcore_barrier()
    _tile_slice_copy(s, acc, q_hbm.at[c])


_RB = 1000


def _dense_body(x_ref, w_ref, degp_ref, hprime_ref, dis_ref):
    deg = degp_ref[0][:, 0:1] + degp_ref[1][:, 0:1] + 1.0
    dis = lax.rsqrt(deg)
    h = jnp.dot(x_ref[...], w_ref[...], preferred_element_type=jnp.float32)
    hprime_ref[...] = (dis * h).astype(jnp.bfloat16)
    dis_ref[...] = dis


_dense_call = pl.pallas_call(
    _dense_body,
    grid=(N // _RB,),
    in_specs=[
        pl.BlockSpec((_RB, D), lambda i: (i, 0)),
        pl.BlockSpec((D, D), lambda i: (0, 0)),
        pl.BlockSpec((NC, _RB, 16), lambda i: (0, i, 0)),
    ],
    out_specs=[
        pl.BlockSpec((_RB, D), lambda i: (i, 0)),
        pl.BlockSpec((_RB, 1), lambda i: (i, 0)),
    ],
    out_shape=[
        jax.ShapeDtypeStruct((N, D), jnp.bfloat16),
        jax.ShapeDtypeStruct((N, 1), jnp.float32),
    ],
)


def _final_body(q_ref, hp_ref, dis_ref, x_ref, ws_ref, b_ref, bs_ref,
                out_ref):
    agg = (q_ref[0].astype(jnp.float32) + q_ref[1].astype(jnp.float32)
           - hp_ref[...].astype(jnp.float32))
    skip = (
        jnp.dot(x_ref[...], ws_ref[...], preferred_element_type=jnp.float32)
        + bs_ref[...]
    )
    out_ref[...] = (
        jnp.maximum(dis_ref[...] * agg + b_ref[...], 0.0) + skip
    )


_final_call = pl.pallas_call(
    _final_body,
    grid=(N // _RB,),
    in_specs=[
        pl.BlockSpec((NC, _RB, D), lambda i: (0, i, 0)),
        pl.BlockSpec((_RB, D), lambda i: (i, 0)),
        pl.BlockSpec((_RB, 1), lambda i: (i, 0)),
        pl.BlockSpec((_RB, D), lambda i: (i, 0)),
        pl.BlockSpec((D, D), lambda i: (0, 0)),
        pl.BlockSpec((1, D), lambda i: (0, 0)),
        pl.BlockSpec((1, D), lambda i: (0, 0)),
    ],
    out_specs=pl.BlockSpec((_RB, D), lambda i: (i, 0)),
    out_shape=jax.ShapeDtypeStruct((N, D), jnp.float32),
)


@jax.jit
def kernel(x, edge_index, W, b, W_skip, b_skip):
    ones16 = jnp.ones((K_DEG, 16), jnp.float32)
    zeros16 = jnp.zeros((N, 16), jnp.float32)
    src = edge_index[0]
    dst = edge_index[1]
    degp = _deg_kernel(dst, ones16, zeros16)
    hprime, dis = _dense_call(x, W, degp)
    q = _agg_kernel(src, dst, hprime)
    return _final_call(q, hprime, dis, x, W_skip,
                       b.reshape(1, D), b_skip.reshape(1, D))

# --- scband reference (transcript-rebuilt; emitter-appended) ---
"""Pipeline reference for scband-gnnblock-32985348833871 (READ-ONLY COPY).

The authoritative reference and input builder live on the scoring server;
editing this copy changes nothing except your own understanding.
"""

import jax, jax.numpy as jnp
import numpy as np

N = 10000
E = 320000
D_IN = 128
D_OUT = 128


def setup_inputs(seed: int = 0) -> dict:
    key = jax.random.key(seed)
    k1, k2, k3, k4 = jax.random.split(key, 4)
    x = jax.random.normal(k1, (N, D_IN), dtype=jnp.float32)
    edge_index = jax.random.randint(k2, (2, E), 0, N, dtype=jnp.int32)
    # GCNConv learned params (glorot-ish init)
    W = jax.random.normal(k3, (D_IN, D_OUT), dtype=jnp.float32) * (1.0 / np.sqrt(D_IN))
    b = jnp.zeros((D_OUT,), dtype=jnp.float32)
    # SkipConnection projection params (Linear(in_dim, out_dim))
    W_skip = jax.random.normal(k4, (D_IN, D_OUT), dtype=jnp.float32) * (1.0 / np.sqrt(D_IN))
    b_skip = jnp.zeros((D_OUT,), dtype=jnp.float32)
    return {"x": x, "edge_index": edge_index, "W": W, "b": b, "W_skip": W_skip, "b_skip": b_skip}


def _gcn_conv(x, edge_index, W, b):
    # Faithful GCNConv: add self-loops, symmetric normalization, linear transform, aggregate
    src = edge_index[0]
    dst = edge_index[1]
    loop = jnp.arange(N, dtype=edge_index.dtype)
    src = jnp.concatenate([src, loop])
    dst = jnp.concatenate([dst, loop])
    # degree computed on destination nodes with unit edge weights
    deg = jnp.zeros((N,), dtype=jnp.float32).at[dst].add(1.0)
    deg_inv_sqrt = jnp.where(deg > 0, jax.lax.rsqrt(deg), 0.0)
    norm = deg_inv_sqrt[src] * deg_inv_sqrt[dst]
    h = x @ W  # transform first (as in PyG GCNConv)
    msg = jnp.take(h, src, axis=0) * norm[:, None]  # gather + scale
    out = jnp.zeros((N, W.shape[1]), dtype=jnp.float32).at[dst].add(msg)  # scatter-add
    return out + b


def reference(x, edge_index, W, b, W_skip, b_skip):
    x_res = _gcn_conv(x, edge_index, W, b)
    # normalizer = Identity
    x_res = jax.nn.relu(x_res)  # activation = ReLU
    # skip connection: project input (in_dim -> out_dim) and add residual
    x_res = x_res + (x @ W_skip + b_skip)
    # dropout p=0.0 -> identity (eval/deterministic)
    return x_res

if __name__ == "__main__":
    import jax
    _d = setup_inputs()
    print(jax.jit(kernel)(*tuple(_d.values())))

</pallas_src>

<mosaic_0001>
#map = affine_map<(d0, d1) -> (0)>
#map1 = affine_map<(d0, d1) -> (0, 0)>
#map2 = affine_map<(d0, d1) -> (0, 0, 0)>
module attributes {stable_mosaic.version = 14 : i64} {
  func.func @_deg_kernel(%arg0: i32, %arg1: i32, %arg2: memref<320000xi32, #tpu.memory_space<hbm>>, %arg3: memref<2000x16xf32, #tpu.memory_space<hbm>>, %arg4: memref<10000x16xf32, #tpu.memory_space<hbm>>, %arg5: memref<2x10000x16xf32, #tpu.memory_space<hbm>>, %arg6: memref<10000x16xf32, #tpu.memory_space<vmem_shared>>, %arg7: memref<2000xi32, #tpu.memory_space<vmem>>, %arg8: memref<2000xi32, #tpu.memory_space<vmem>>, %arg9: memref<2000x16xf32, #tpu.memory_space<vmem>>, %arg10: memref<!tpu.dma_semaphore, #tpu.memory_space<semaphore_mem>>, %arg11: memref<!tpu.dma_semaphore, #tpu.memory_space<semaphore_mem>>) attributes {dimension_semantics = [#tpu.dimension_semantics<core_parallel>, #tpu.dimension_semantics<subcore_parallel>], iteration_bounds = array<i64: 2, 16>, scalar_prefetch = 0 : i64, scratch_operands = 6 : i64, tpu.core_type = #tpu.core_type<sc_vector_subcore>, window_params = [{transform_indices = #map}, {transform_indices = #map1}, {transform_indices = #map1}, {transform_indices = #map2}]} {
    %mul3A = arith.constant 160000 : i32
    %mul3A_0 = arith.muli %arg0, %mul3A : i32
    %mul3A_1 = arith.constant 10000 : i32
    %mul3A_2 = arith.muli %arg1, %mul3A_1 : i32
    %add3A = arith.addi %mul3A_0, %mul3A_2 : i32
    %add3A_3 = arith.constant 0 : i32
    %add3A_4 = arith.addi %add3A, %add3A_3 : i32
    %dma_start3A = tpu.memref_slice %arg2[%add3A_4] : memref<320000xi32, #tpu.memory_space<hbm>> -> memref<2000xi32, #tpu.memory_space<hbm>>
    %dma_start3A_5 = tpu.memref_slice %arg2[%add3A_4] : memref<320000xi32, #tpu.memory_space<hbm>> -> memref<2000xi32, #tpu.memory_space<hbm>>
    tpu.enqueue_dma source(%dma_start3A_5 : memref<2000xi32, #tpu.memory_space<hbm>>) target(%arg7 : memref<2000xi32, #tpu.memory_space<vmem>>) target_semaphore(%arg10 : memref<!tpu.dma_semaphore, #tpu.memory_space<semaphore_mem>>)
    %add3A_6 = arith.constant 2000 : i32
    %add3A_7 = arith.addi %add3A, %add3A_6 : i32
    %dma_start3A_8 = tpu.memref_slice %arg2[%add3A_7] : memref<320000xi32, #tpu.memory_space<hbm>> -> memref<2000xi32, #tpu.memory_space<hbm>>
    %dma_start3A_9 = tpu.memref_slice %arg2[%add3A_7] : memref<320000xi32, #tpu.memory_space<hbm>> -> memref<2000xi32, #tpu.memory_space<hbm>>
    tpu.enqueue_dma source(%dma_start3A_9 : memref<2000xi32, #tpu.memory_space<hbm>>) target(%arg8 : memref<2000xi32, #tpu.memory_space<vmem>>) target_semaphore(%arg11 : memref<!tpu.dma_semaphore, #tpu.memory_space<semaphore_mem>>)
    "tpu.region"() ({
      %run_scoped3A = tpu.sem_alloc : memref<!tpu.dma_semaphore, #tpu.memory_space<semaphore_mem>>
      tpu.enqueue_dma source(%arg3 : memref<2000x16xf32, #tpu.memory_space<hbm>>) target(%arg9 : memref<2000x16xf32, #tpu.memory_space<vmem>>) target_semaphore(%run_scoped3A : memref<!tpu.dma_semaphore, #tpu.memory_space<semaphore_mem>>)
      tpu.wait_dma2 semaphore(%run_scoped3A : memref<!tpu.dma_semaphore, #tpu.memory_space<semaphore_mem>>) src(%arg3 : memref<2000x16xf32, #tpu.memory_space<hbm>>) dst(%arg9 : memref<2000x16xf32, #tpu.memory_space<vmem>>)
      tpu.yield
    }) : () -> ()
    %mul3A_10 = arith.constant 640 : i32
    %mul3A_11 = arith.muli %arg1, %mul3A_10 : i32
    %eq3A = arith.constant 15 : i32
    %eq3A_12 = arith.cmpi eq, %arg1, %eq3A : i32
    %convert_element_type3A = arith.extui %eq3A_12 : i1 to i32
    %cond3A = arith.constant 0 : i32
    %cond3A_13 = arith.cmpi ne, %convert_element_type3A, %cond3A : i32
    scf.if %cond3A_13 {
      "tpu.region"() ({
        %run_scoped3A = tpu.sem_alloc : memref<!tpu.dma_semaphore, #tpu.memory_space<semaphore_mem>>
        %dma_start3A_37 = arith.constant 0 : i32
        %dma_start3A_38 = tpu.memref_slice %arg6[%mul3A_11, %dma_start3A_37] : memref<10000x16xf32, #tpu.memory_space<vmem_shared>> -> memref<400x16xf32, #tpu.memory_space<vmem_shared>>
        %dma_start3A_39 = arith.constant 0 : i32
        %dma_start3A_40 = tpu.memref_slice %arg4[%mul3A_11, %dma_start3A_39] : memref<10000x16xf32, #tpu.memory_space<hbm>> -> memref<400x16xf32, #tpu.memory_space<hbm>>
        tpu.enqueue_dma source(%dma_start3A_40 : memref<400x16xf32, #tpu.memory_space<hbm>>) target(%dma_start3A_38 : memref<400x16xf32, #tpu.memory_space<vmem_shared>>) target_semaphore(%run_scoped3A : memref<!tpu.dma_semaphore, #tpu.memory_space<semaphore_mem>>)
        %dma_wait3A_41 = arith.constant 0 : i32
        %dma_wait3A_42 = tpu.memref_slice %arg6[%mul3A_11, %dma_wait3A_41] : memref<10000x16xf32, #tpu.memory_space<vmem_shared>> -> memref<400x16xf32, #tpu.memory_space<vmem_shared>>
        %dma_wait3A_43 = arith.constant 0 : i32
        %dma_wait3A_44 = tpu.memref_slice %arg4[%mul3A_11, %dma_wait3A_43] : memref<10000x16xf32, #tpu.memory_space<hbm>> -> memref<400x16xf32, #tpu.memory_space<hbm>>
        tpu.wait_dma2 semaphore(%run_scoped3A : memref<!tpu.dma_semaphore, #tpu.memory_space<semaphore_mem>>) src(%dma_wait3A_44 : memref<400x16xf32, #tpu.memory_space<hbm>>) dst(%dma_wait3A_42 : memref<400x16xf32, #tpu.memory_space<vmem_shared>>)
        tpu.yield
      }) : () -> ()
    } else {
    }
    %ne3A = arith.constant 15 : i32
    %ne3A_14 = arith.cmpi ne, %arg1, %ne3A : i32
    %convert_element_type3A_15 = arith.extui %ne3A_14 : i1 to i32
    %cond3A_16 = arith.constant 0 : i32
    %cond3A_17 = arith.cmpi ne, %convert_element_type3A_15, %cond3A_16 : i32
    scf.if %cond3A_17 {
      "tpu.region"() ({
        %run_scoped3A = tpu.sem_alloc : memref<!tpu.dma_semaphore, #tpu.memory_space<semaphore_mem>>
        %dma_start3A_37 = arith.constant 0 : i32
        %dma_start3A_38 = tpu.memref_slice %arg6[%mul3A_11, %dma_start3A_37] : memref<10000x16xf32, #tpu.memory_space<vmem_shared>> -> memref<640x16xf32, #tpu.memory_space<vmem_shared>>
        %dma_start3A_39 = arith.constant 0 : i32
        %dma_start3A_40 = tpu.memref_slice %arg4[%mul3A_11, %dma_start3A_39] : memref<10000x16xf32, #tpu.memory_space<hbm>> -> memref<640x16xf32, #tpu.memory_space<hbm>>
        tpu.enqueue_dma source(%dma_start3A_40 : memref<640x16xf32, #tpu.memory_space<hbm>>) target(%dma_start3A_38 : memref<640x16xf32, #tpu.memory_space<vmem_shared>>) target_semaphore(%run_scoped3A : memref<!tpu.dma_semaphore, #tpu.memory_space<semaphore_mem>>)
        %dma_wait3A_41 = arith.constant 0 : i32
        %dma_wait3A_42 = tpu.memref_slice %arg6[%mul3A_11, %dma_wait3A_41] : memref<10000x16xf32, #tpu.memory_space<vmem_shared>> -> memref<640x16xf32, #tpu.memory_space<vmem_shared>>
        %dma_wait3A_43 = arith.constant 0 : i32
        %dma_wait3A_44 = tpu.memref_slice %arg4[%mul3A_11, %dma_wait3A_43] : memref<10000x16xf32, #tpu.memory_space<hbm>> -> memref<640x16xf32, #tpu.memory_space<hbm>>
        tpu.wait_dma2 semaphore(%run_scoped3A : memref<!tpu.dma_semaphore, #tpu.memory_space<semaphore_mem>>) src(%dma_wait3A_44 : memref<640x16xf32, #tpu.memory_space<hbm>>) dst(%dma_wait3A_42 : memref<640x16xf32, #tpu.memory_space<vmem_shared>>)
        tpu.yield
      }) : () -> ()
    } else {
    }
    %barrier3A = arith.constant 0 : index
    tpu.barrier barrier_id(%barrier3A)
    %scan3A = arith.constant 0 : i32
    %scan3A_18 = arith.constant 0 : i32
    %scan3A_19 = arith.constant 2 : i32
    %scan3A_20 = arith.addi %scan3A_18, %scan3A_19 : i32
    %scan3A_21 = arith.constant 1 : i32
    scf.for %scan3A_37 = %scan3A_18 to %scan3A_20 step %scan3A_21  : i32 {
      %mul3A_38 = arith.constant 2 : i32
      %mul3A_39 = arith.muli %mul3A_38, %scan3A_37 : i32
      %dma_wait3A_40 = tpu.memref_slice %arg2[%add3A] : memref<320000xi32, #tpu.memory_space<hbm>> -> memref<2000xi32, #tpu.memory_space<hbm>>
      %dma_wait3A_41 = tpu.memref_slice %arg2[%add3A] : memref<320000xi32, #tpu.memory_space<hbm>> -> memref<2000xi32, #tpu.memory_space<hbm>>
      tpu.wait_dma2 semaphore(%arg10 : memref<!tpu.dma_semaphore, #tpu.memory_space<semaphore_mem>>) src(%dma_wait3A_41 : memref<2000xi32, #tpu.memory_space<hbm>>) dst(%arg7 : memref<2000xi32, #tpu.memory_space<vmem>>)
      "tpu.region"() ({
        %run_scoped3A = tpu.sem_alloc : memref<!tpu.dma_semaphore, #tpu.memory_space<semaphore_mem>>
        %dma_start3A_57 = arith.constant 0 : i32
        %dma_start3A_58 = arith.constant 0 : i32
        %dma_start3A_59 = tpu.memref_slice %arg6[%dma_start3A_57, %dma_start3A_58] : memref<10000x16xf32, #tpu.memory_space<vmem_shared>> -> memref<10000x16xf32, #tpu.memory_space<vmem_shared>>
        tpu.enqueue_indirect_dma source(%arg9 : memref<2000x16xf32, #tpu.memory_space<vmem>>) target(%dma_start3A_59 : memref<10000x16xf32, #tpu.memory_space<vmem_shared>>) offsets(%arg7 : memref<2000xi32, #tpu.memory_space<vmem>>) semaphore(%run_scoped3A : memref<!tpu.dma_semaphore, #tpu.memory_space<semaphore_mem>>) {add = true}
        %dma_wait3A_60 = arith.constant 0 : i32
        %dma_wait3A_61 = arith.constant 0 : i32
        %dma_wait3A_62 = tpu.memref_slice %arg6[%dma_wait3A_60, %dma_wait3A_61] : memref<10000x16xf32, #tpu.memory_space<vmem_shared>> -> memref<10000x16xf32, #tpu.memory_space<vmem_shared>>
        tpu.wait_indirect_dma semaphore(%run_scoped3A : memref<!tpu.dma_semaphore, #tpu.memory_space<semaphore_mem>>) src(%arg9 : memref<2000x16xf32, #tpu.memory_space<vmem>>) dst(%dma_wait3A_62 : memref<10000x16xf32, #tpu.memory_space<vmem_shared>>)
        tpu.yield
      }) : () -> ()
      %add3A_42 = arith.constant 2 : i32
      %add3A_43 = arith.addi %mul3A_39, %add3A_42 : i32
      %lt3A = arith.constant 5 : i32
      %lt3A_44 = arith.cmpi slt, %add3A_43, %lt3A : i32
      %convert_element_type3A_45 = arith.extui %lt3A_44 : i1 to i32
      %cond3A_46 = arith.constant 0 : i32
      %cond3A_47 = arith.cmpi ne, %convert_element_type3A_45, %cond3A_46 : i32
      scf.if %cond3A_47 {
        %add3A_57 = arith.constant 2 : i32
        %add3A_58 = arith.addi %mul3A_39, %add3A_57 : i32
        %mul3A_59 = arith.constant 2000 : i32
        %mul3A_60 = arith.muli %add3A_58, %mul3A_59 : i32
        %add3A_61 = arith.addi %add3A, %mul3A_60 : i32
        %dma_start3A_62 = tpu.memref_slice %arg2[%add3A_61] : memref<320000xi32, #tpu.memory_space<hbm>> -> memref<2000xi32, #tpu.memory_space<hbm>>
        %dma_start3A_63 = tpu.memref_slice %arg2[%add3A_61] : memref<320000xi32, #tpu.memory_space<hbm>> -> memref<2000xi32, #tpu.memory_space<hbm>>
        tpu.enqueue_dma source(%dma_start3A_63 : memref<2000xi32, #tpu.memory_space<hbm>>) target(%arg7 : memref<2000xi32, #tpu.memory_space<vmem>>) target_semaphore(%arg10 : memref<!tpu.dma_semaphore, #tpu.memory_space<semaphore_mem>>)
      } else {
      }
      %dma_wait3A_48 = tpu.memref_slice %arg2[%add3A] : memref<320000xi32, #tpu.memory_space<hbm>> -> memref<2000xi32, #tpu.memory_space<hbm>>
      %dma_wait3A_49 = tpu.memref_slice %arg2[%add3A] : memref<320000xi32, #tpu.memory_space<hbm>> -> memref<2000xi32, #tpu.memory_space<hbm>>
      tpu.wait_dma2 semaphore(%arg11 : memref<!tpu.dma_semaphore, #tpu.memory_space<semaphore_mem>>) src(%dma_wait3A_49 : memref<2000xi32, #tpu.memory_space<hbm>>) dst(%arg8 : memref<2000xi32, #tpu.memory_space<vmem>>)
      "tpu.region"() ({
        %run_scoped3A = tpu.sem_alloc : memref<!tpu.dma_semaphore, #tpu.memory_space<semaphore_mem>>
        %dma_start3A_57 = arith.constant 0 : i32
        %dma_start3A_58 = arith.constant 0 : i32
        %dma_start3A_59 = tpu.memref_slice %arg6[%dma_start3A_57, %dma_start3A_58] : memref<10000x16xf32, #tpu.memory_space<vmem_shared>> -> memref<10000x16xf32, #tpu.memory_space<vmem_shared>>
        tpu.enqueue_indirect_dma source(%arg9 : memref<2000x16xf32, #tpu.memory_space<vmem>>) target(%dma_start3A_59 : memref<10000x16xf32, #tpu.memory_space<vmem_shared>>) offsets(%arg8 : memref<2000xi32, #tpu.memory_space<vmem>>) semaphore(%run_scoped3A : memref<!tpu.dma_semaphore, #tpu.memory_space<semaphore_mem>>) {add = true}
        %dma_wait3A_60 = arith.constant 0 : i32
        %dma_wait3A_61 = arith.constant 0 : i32
        %dma_wait3A_62 = tpu.memref_slice %arg6[%dma_wait3A_60, %dma_wait3A_61] : memref<10000x16xf32, #tpu.memory_space<vmem_shared>> -> memref<10000x16xf32, #tpu.memory_space<vmem_shared>>
        tpu.wait_indirect_dma semaphore(%run_scoped3A : memref<!tpu.dma_semaphore, #tpu.memory_space<semaphore_mem>>) src(%arg9 : memref<2000x16xf32, #tpu.memory_space<vmem>>) dst(%dma_wait3A_62 : memref<10000x16xf32, #tpu.memory_space<vmem_shared>>)
        tpu.yield
      }) : () -> ()
      %add3A_50 = arith.constant 3 : i32
      %add3A_51 = arith.addi %mul3A_39, %add3A_50 : i32
      %lt3A_52 = arith.constant 5 : i32
      %lt3A_53 = arith.cmpi slt, %add3A_51, %lt3A_52 : i32
      %convert_element_type3A_54 = arith.extui %lt3A_53 : i1 to i32
      %cond3A_55 = arith.constant 0 : i32
      %cond3A_56 = arith.cmpi ne, %convert_element_type3A_54, %cond3A_55 : i32
      scf.if %cond3A_56 {
        %add3A_57 = arith.constant 3 : i32
        %add3A_58 = arith.addi %mul3A_39, %add3A_57 : i32
        %mul3A_59 = arith.constant 2000 : i32
        %mul3A_60 = arith.muli %add3A_58, %mul3A_59 : i32
        %add3A_61 = arith.addi %add3A, %mul3A_60 : i32
        %dma_start3A_62 = tpu.memref_slice %arg2[%add3A_61] : memref<320000xi32, #tpu.memory_space<hbm>> -> memref<2000xi32, #tpu.memory_space<hbm>>
        %dma_start3A_63 = tpu.memref_slice %arg2[%add3A_61] : memref<320000xi32, #tpu.memory_space<hbm>> -> memref<2000xi32, #tpu.memory_space<hbm>>
        tpu.enqueue_dma source(%dma_start3A_63 : memref<2000xi32, #tpu.memory_space<hbm>>) target(%arg8 : memref<2000xi32, #tpu.memory_space<vmem>>) target_semaphore(%arg11 : memref<!tpu.dma_semaphore, #tpu.memory_space<semaphore_mem>>)
      } else {
      }
    }
    %scan3A_22 = arith.constant 2 : i32
    %dma_wait3A = tpu.memref_slice %arg2[%add3A] : memref<320000xi32, #tpu.memory_space<hbm>> -> memref<2000xi32, #tpu.memory_space<hbm>>
    %dma_wait3A_23 = tpu.memref_slice %arg2[%add3A] : memref<320000xi32, #tpu.memory_space<hbm>> -> memref<2000xi32, #tpu.memory_space<hbm>>
    tpu.wait_dma2 semaphore(%arg10 : memref<!tpu.dma_semaphore, #tpu.memory_space<semaphore_mem>>) src(%dma_wait3A_23 : memref<2000xi32, #tpu.memory_space<hbm>>) dst(%arg7 : memref<2000xi32, #tpu.memory_space<vmem>>)
    "tpu.region"() ({
      %run_scoped3A = tpu.sem_alloc : memref<!tpu.dma_semaphore, #tpu.memory_space<semaphore_mem>>
      %dma_start3A_37 = arith.constant 0 : i32
      %dma_start3A_38 = arith.constant 0 : i32
      %dma_start3A_39 = tpu.memref_slice %arg6[%dma_start3A_37, %dma_start3A_38] : memref<10000x16xf32, #tpu.memory_space<vmem_shared>> -> memref<10000x16xf32, #tpu.memory_space<vmem_shared>>
      tpu.enqueue_indirect_dma source(%arg9 : memref<2000x16xf32, #tpu.memory_space<vmem>>) target(%dma_start3A_39 : memref<10000x16xf32, #tpu.memory_space<vmem_shared>>) offsets(%arg7 : memref<2000xi32, #tpu.memory_space<vmem>>) semaphore(%run_scoped3A : memref<!tpu.dma_semaphore, #tpu.memory_space<semaphore_mem>>) {add = true}
      %dma_wait3A_40 = arith.constant 0 : i32
      %dma_wait3A_41 = arith.constant 0 : i32
      %dma_wait3A_42 = tpu.memref_slice %arg6[%dma_wait3A_40, %dma_wait3A_41] : memref<10000x16xf32, #tpu.memory_space<vmem_shared>> -> memref<10000x16xf32, #tpu.memory_space<vmem_shared>>
      tpu.wait_indirect_dma semaphore(%run_scoped3A : memref<!tpu.dma_semaphore, #tpu.memory_space<semaphore_mem>>) src(%arg9 : memref<2000x16xf32, #tpu.memory_space<vmem>>) dst(%dma_wait3A_42 : memref<10000x16xf32, #tpu.memory_space<vmem_shared>>)
      tpu.yield
    }) : () -> ()
    %barrier3A_24 = arith.constant 0 : index
    tpu.barrier barrier_id(%barrier3A_24)
    %mul3A_25 = arith.constant 640 : i32
    %mul3A_26 = arith.muli %arg1, %mul3A_25 : i32
    %eq3A_27 = arith.constant 15 : i32
    %eq3A_28 = arith.cmpi eq, %arg1, %eq3A_27 : i32
    %convert_element_type3A_29 = arith.extui %eq3A_28 : i1 to i32
    %cond3A_30 = arith.constant 0 : i32
    %cond3A_31 = arith.cmpi ne, %convert_element_type3A_29, %cond3A_30 : i32
    scf.if %cond3A_31 {
      "tpu.region"() ({
        %run_scoped3A = tpu.sem_alloc : memref<!tpu.dma_semaphore, #tpu.memory_space<semaphore_mem>>
        %dma_start3A_37 = arith.constant 0 : i32
        %dma_start3A_38 = arith.constant 0 : i32
        %dma_start3A_39 = tpu.memref_slice %arg5[%arg0, %dma_start3A_37, %dma_start3A_38] : memref<2x10000x16xf32, #tpu.memory_space<hbm>> -> memref<1x10000x16xf32, #tpu.memory_space<hbm>>
        %dma_start3A_40 = tpu.memref_squeeze %dma_start3A_39 : memref<1x10000x16xf32, #tpu.memory_space<hbm>> -> memref<10000x16xf32, #tpu.memory_space<hbm>>
        %dma_start3A_41 = arith.constant 0 : i32
        %dma_start3A_42 = tpu.memref_slice %dma_start3A_40[%mul3A_26, %dma_start3A_41] : memref<10000x16xf32, #tpu.memory_space<hbm>> -> memref<400x16xf32, #tpu.memory_space<hbm>>
        %dma_start3A_43 = arith.constant 0 : i32
        %dma_start3A_44 = tpu.memref_slice %arg6[%mul3A_26, %dma_start3A_43] : memref<10000x16xf32, #tpu.memory_space<vmem_shared>> -> memref<400x16xf32, #tpu.memory_space<vmem_shared>>
        tpu.enqueue_dma source(%dma_start3A_44 : memref<400x16xf32, #tpu.memory_space<vmem_shared>>) target(%dma_start3A_42 : memref<400x16xf32, #tpu.memory_space<hbm>>) target_semaphore(%run_scoped3A : memref<!tpu.dma_semaphore, #tpu.memory_space<semaphore_mem>>)
        %dma_wait3A_45 = arith.constant 0 : i32
        %dma_wait3A_46 = arith.constant 0 : i32
        %dma_wait3A_47 = tpu.memref_slice %arg5[%arg0, %dma_wait3A_45, %dma_wait3A_46] : memref<2x10000x16xf32, #tpu.memory_space<hbm>> -> memref<1x10000x16xf32, #tpu.memory_space<hbm>>
        %dma_wait3A_48 = tpu.memref_squeeze %dma_wait3A_47 : memref<1x10000x16xf32, #tpu.memory_space<hbm>> -> memref<10000x16xf32, #tpu.memory_space<hbm>>
        %dma_wait3A_49 = arith.constant 0 : i32
        %dma_wait3A_50 = tpu.memref_slice %dma_wait3A_48[%mul3A_26, %dma_wait3A_49] : memref<10000x16xf32, #tpu.memory_space<hbm>> -> memref<400x16xf32, #tpu.memory_space<hbm>>
        %dma_wait3A_51 = arith.constant 0 : i32
        %dma_wait3A_52 = tpu.memref_slice %arg6[%mul3A_26, %dma_wait3A_51] : memref<10000x16xf32, #tpu.memory_space<vmem_shared>> -> memref<400x16xf32, #tpu.memory_space<vmem_shared>>
        tpu.wait_dma2 semaphore(%run_scoped3A : memref<!tpu.dma_semaphore, #tpu.memory_space<semaphore_mem>>) src(%dma_wait3A_52 : memref<400x16xf32, #tpu.memory_space<vmem_shared>>) dst(%dma_wait3A_50 : memref<400x16xf32, #tpu.memory_space<hbm>>)
        tpu.yield
      }) : () -> ()
    } else {
    }
    %ne3A_32 = arith.constant 15 : i32
    %ne3A_33 = arith.cmpi ne, %arg1, %ne3A_32 : i32
    %convert_element_type3A_34 = arith.extui %ne3A_33 : i1 to i32
    %cond3A_35 = arith.constant 0 : i32
    %cond3A_36 = arith.cmpi ne, %convert_element_type3A_34, %cond3A_35 : i32
    scf.if %cond3A_36 {
      "tpu.region"() ({
        %run_scoped3A = tpu.sem_alloc : memref<!tpu.dma_semaphore, #tpu.memory_space<semaphore_mem>>
        %dma_start3A_37 = arith.constant 0 : i32
        %dma_start3A_38 = arith.constant 0 : i32
        %dma_start3A_39 = tpu.memref_slice %arg5[%arg0, %dma_start3A_37, %dma_start3A_38] : memref<2x10000x16xf32, #tpu.memory_space<hbm>> -> memref<1x10000x16xf32, #tpu.memory_space<hbm>>
        %dma_start3A_40 = tpu.memref_squeeze %dma_start3A_39 : memref<1x10000x16xf32, #tpu.memory_space<hbm>> -> memref<10000x16xf32, #tpu.memory_space<hbm>>
        %dma_start3A_41 = arith.constant 0 : i32
        %dma_start3A_42 = tpu.memref_slice %dma_start3A_40[%mul3A_26, %dma_start3A_41] : memref<10000x16xf32, #tpu.memory_space<hbm>> -> memref<640x16xf32, #tpu.memory_space<hbm>>
        %dma_start3A_43 = arith.constant 0 : i32
        %dma_start3A_44 = tpu.memref_slice %arg6[%mul3A_26, %dma_start3A_43] : memref<10000x16xf32, #tpu.memory_space<vmem_shared>> -> memref<640x16xf32, #tpu.memory_space<vmem_shared>>
        tpu.enqueue_dma source(%dma_start3A_44 : memref<640x16xf32, #tpu.memory_space<vmem_shared>>) target(%dma_start3A_42 : memref<640x16xf32, #tpu.memory_space<hbm>>) target_semaphore(%run_scoped3A : memref<!tpu.dma_semaphore, #tpu.memory_space<semaphore_mem>>)
        %dma_wait3A_45 = arith.constant 0 : i32
        %dma_wait3A_46 = arith.constant 0 : i32
        %dma_wait3A_47 = tpu.memref_slice %arg5[%arg0, %dma_wait3A_45, %dma_wait3A_46] : memref<2x10000x16xf32, #tpu.memory_space<hbm>> -> memref<1x10000x16xf32, #tpu.memory_space<hbm>>
        %dma_wait3A_48 = tpu.memref_squeeze %dma_wait3A_47 : memref<1x10000x16xf32, #tpu.memory_space<hbm>> -> memref<10000x16xf32, #tpu.memory_space<hbm>>
        %dma_wait3A_49 = arith.constant 0 : i32
        %dma_wait3A_50 = tpu.memref_slice %dma_wait3A_48[%mul3A_26, %dma_wait3A_49] : memref<10000x16xf32, #tpu.memory_space<hbm>> -> memref<640x16xf32, #tpu.memory_space<hbm>>
        %dma_wait3A_51 = arith.constant 0 : i32
        %dma_wait3A_52 = tpu.memref_slice %arg6[%mul3A_26, %dma_wait3A_51] : memref<10000x16xf32, #tpu.memory_space<vmem_shared>> -> memref<640x16xf32, #tpu.memory_space<vmem_shared>>
        tpu.wait_dma2 semaphore(%run_scoped3A : memref<!tpu.dma_semaphore, #tpu.memory_space<semaphore_mem>>) src(%dma_wait3A_52 : memref<640x16xf32, #tpu.memory_space<vmem_shared>>) dst(%dma_wait3A_50 : memref<640x16xf32, #tpu.memory_space<hbm>>)
        tpu.yield
      }) : () -> ()
    } else {
    }
    return
  }
}

#map = affine_map<(d0, d1) -> (0)>
#map1 = affine_map<(d0, d1) -> (0, 0)>
#map2 = affine_map<(d0, d1) -> (0, 0, 0)>
module attributes {stable_mosaic.version = 14 : i64} {
  func.func @_agg_kernel(%arg0: i32, %arg1: i32, %arg2: memref<320000xi32, #tpu.memory_space<hbm>>, %arg3: memref<320000xi32, #tpu.memory_space<hbm>>, %arg4: memref<10000x128xbf16, #tpu.memory_space<hbm>>, %arg5: memref<2x10000x128xbf16, #tpu.memory_space<hbm>>, %arg6: memref<10000x128xbf16, #tpu.memory_space<vmem_shared>>, %arg7: memref<80xi32, #tpu.memory_space<vmem>>, %arg8: memref<80xi32, #tpu.memory_space<vmem>>, %arg9: memref<80xi32, #tpu.memory_space<vmem>>, %arg10: memref<80xi32, #tpu.memory_space<vmem>>, %arg11: memref<80xi32, #tpu.memory_space<vmem>>, %arg12: memref<80xi32, #tpu.memory_space<vmem>>, %arg13: memref<80xi32, #tpu.memory_space<vmem>>, %arg14: memref<80xi32, #tpu.memory_space<vmem>>, %arg15: memref<80xi32, #tpu.memory_space<vmem>>, %arg16: memref<80xi32, #tpu.memory_space<vmem>>, %arg17: memref<80xi32, #tpu.memory_space<vmem>>, %arg18: memref<80xi32, #tpu.memory_space<vmem>>, %arg19: memref<80xi32, #tpu.memory_space<vmem>>, %arg20: memref<80xi32, #tpu.memory_space<vmem>>, %arg21: memref<80xi32, #tpu.memory_space<vmem>>, %arg22: memref<80xi32, #tpu.memory_space<vmem>>, %arg23: memref<80x128xbf16, #tpu.memory_space<vmem>>, %arg24: memref<80x128xbf16, #tpu.memory_space<vmem>>, %arg25: memref<80x128xbf16, #tpu.memory_space<vmem>>, %arg26: memref<80x128xbf16, #tpu.memory_space<vmem>>, %arg27: memref<80x128xbf16, #tpu.memory_space<vmem>>, %arg28: memref<80x128xbf16, #tpu.memory_space<vmem>>, %arg29: memref<80x128xbf16, #tpu.memory_space<vmem>>, %arg30: memref<80x128xbf16, #tpu.memory_space<vmem>>, %arg31: memref<!tpu.dma_semaphore, #tpu.memory_space<semaphore_mem>>, %arg32: memref<!tpu.dma_semaphore, #tpu.memory_space<semaphore_mem>>, %arg33: memref<!tpu.dma_semaphore, #tpu.memory_space<semaphore_mem>>, %arg34: memref<!tpu.dma_semaphore, #tpu.memory_space<semaphore_mem>>, %arg35: memref<!tpu.dma_semaphore, #tpu.memory_space<semaphore_mem>>, %arg36: memref<!tpu.dma_semaphore, #tpu.memory_space<semaphore_mem>>, %arg37: memref<!tpu.dma_semaphore, #tpu.memory_space<semaphore_mem>>, %arg38: memref<!tpu.dma_semaphore, #tpu.memory_space<semaphore_mem>>, %arg39: memref<!tpu.dma_semaphore, #tpu.memory_space<semaphore_mem>>, %arg40: memref<!tpu.dma_semaphore, #tpu.memory_space<semaphore_mem>>, %arg41: memref<!tpu.dma_semaphore, #tpu.memory_space<semaphore_mem>>, %arg42: memref<!tpu.dma_semaphore, #tpu.memory_space<semaphore_mem>>, %arg43: memref<!tpu.dma_semaphore, #tpu.memory_space<semaphore_mem>>, %arg44: memref<!tpu.dma_semaphore, #tpu.memory_space<semaphore_mem>>, %arg45: memref<!tpu.dma_semaphore, #tpu.memory_space<semaphore_mem>>, %arg46: memref<!tpu.dma_semaphore, #tpu.memory_space<semaphore_mem>>, %arg47: memref<!tpu.dma_semaphore, #tpu.memory_space<semaphore_mem>>, %arg48: memref<!tpu.dma_semaphore, #tpu.memory_space<semaphore_mem>>, %arg49: memref<!tpu.dma_semaphore, #tpu.memory_space<semaphore_mem>>, %arg50: memref<!tpu.dma_semaphore, #tpu.memory_space<semaphore_mem>>, %arg51: memref<!tpu.dma_semaphore, #tpu.memory_space<semaphore_mem>>, %arg52: memref<!tpu.dma_semaphore, #tpu.memory_space<semaphore_mem>>, %arg53: memref<!tpu.dma_semaphore, #tpu.memory_space<semaphore_mem>>, %arg54: memref<!tpu.dma_semaphore, #tpu.memory_space<semaphore_mem>>) attributes {dimension_semantics = [#tpu.dimension_semantics<core_parallel>, #tpu.dimension_semantics<subcore_parallel>], iteration_bounds = array<i64: 2, 16>, scalar_prefetch = 0 : i64, scratch_operands = 49 : i64, tpu.core_type = #tpu.core_type<sc_vector_subcore>, window_params = [{transform_indices = #map}, {transform_indices = #map}, {transform_indices = #map1}, {transform_indices = #map2}]} {
    %mul3A = arith.constant 160000 : i32
    %mul3A_0 = arith.muli %arg0, %mul3A : i32
    %mul3A_1 = arith.constant 10000 : i32
    %mul3A_2 = arith.muli %arg1, %mul3A_1 : i32
    %add3A = arith.addi %mul3A_0, %mul3A_2 : i32
    %add3A_3 = arith.constant 0 : i32
    %add3A_4 = arith.addi %add3A, %add3A_3 : i32
    %dma_start3A = tpu.memref_slice %arg2[%add3A_4] : memref<320000xi32, #tpu.memory_space<hbm>> -> memref<80xi32, #tpu.memory_space<hbm>>
    %dma_start3A_5 = tpu.memref_slice %arg2[%add3A_4] : memref<320000xi32, #tpu.memory_space<hbm>> -> memref<80xi32, #tpu.memory_space<hbm>>
    tpu.enqueue_dma source(%dma_start3A_5 : memref<80xi32, #tpu.memory_space<hbm>>) target(%arg7 : memref<80xi32, #tpu.memory_space<vmem>>) target_semaphore(%arg31 : memref<!tpu.dma_semaphore, #tpu.memory_space<semaphore_mem>>)
    %dma_start3A_6 = tpu.memref_slice %arg3[%add3A_4] : memref<320000xi32, #tpu.memory_space<hbm>> -> memref<80xi32, #tpu.memory_space<hbm>>
    %dma_start3A_7 = tpu.memref_slice %arg3[%add3A_4] : memref<320000xi32, #tpu.memory_space<hbm>> -> memref<80xi32, #tpu.memory_space<hbm>>
    tpu.enqueue_dma source(%dma_start3A_7 : memref<80xi32, #tpu.memory_space<hbm>>) target(%arg15 : memref<80xi32, #tpu.memory_space<vmem>>) target_semaphore(%arg39 : memref<!tpu.dma_semaphore, #tpu.memory_space<semaphore_mem>>)
    %add3A_8 = arith.constant 80 : i32
    %add3A_9 = arith.addi %add3A, %add3A_8 : i32
    %dma_start3A_10 = tpu.memref_slice %arg2[%add3A_9] : memref<320000xi32, #tpu.memory_space<hbm>> -> memref<80xi32, #tpu.memory_space<hbm>>
    %dma_start3A_11 = tpu.memref_slice %arg2[%add3A_9] : memref<320000xi32, #tpu.memory_space<hbm>> -> memref<80xi32, #tpu.memory_space<hbm>>
    tpu.enqueue_dma source(%dma_start3A_11 : memref<80xi32, #tpu.memory_space<hbm>>) target(%arg8 : memref<80xi32, #tpu.memory_space<vmem>>) target_semaphore(%arg32 : memref<!tpu.dma_semaphore, #tpu.memory_space<semaphore_mem>>)
    %dma_start3A_12 = tpu.memref_slice %arg3[%add3A_9] : memref<320000xi32, #tpu.memory_space<hbm>> -> memref<80xi32, #tpu.memory_space<hbm>>
    %dma_start3A_13 = tpu.memref_slice %arg3[%add3A_9] : memref<320000xi32, #tpu.memory_space<hbm>> -> memref<80xi32, #tpu.memory_space<hbm>>
    tpu.enqueue_dma source(%dma_start3A_13 : memref<80xi32, #tpu.memory_space<hbm>>) target(%arg16 : memref<80xi32, #tpu.memory_space<vmem>>) target_semaphore(%arg40 : memref<!tpu.dma_semaphore, #tpu.memory_space<semaphore_mem>>)
    %add3A_14 = arith.constant 160 : i32
    %add3A_15 = arith.addi %add3A, %add3A_14 : i32
    %dma_start3A_16 = tpu.memref_slice %arg2[%add3A_15] : memref<320000xi32, #tpu.memory_space<hbm>> -> memref<80xi32, #tpu.memory_space<hbm>>
    %dma_start3A_17 = tpu.memref_slice %arg2[%add3A_15] : memref<320000xi32, #tpu.memory_space<hbm>> -> memref<80xi32, #tpu.memory_space<hbm>>
    tpu.enqueue_dma source(%dma_start3A_17 : memref<80xi32, #tpu.memory_space<hbm>>) target(%arg9 : memref<80xi32, #tpu.memory_space<vmem>>) target_semaphore(%arg33 : memref<!tpu.dma_semaphore, #tpu.memory_space<semaphore_mem>>)
    %dma_start3A_18 = tpu.memref_slice %arg3[%add3A_15] : memref<320000xi32, #tpu.memory_space<hbm>> -> memref<80xi32, #tpu.memory_space<hbm>>
    %dma_start3A_19 = tpu.memref_slice %arg3[%add3A_15] : memref<320000xi32, #tpu.memory_space<hbm>> -> memref<80xi32, #tpu.memory_space<hbm>>
    tpu.enqueue_dma source(%dma_start3A_19 : memref<80xi32, #tpu.memory_space<hbm>>) target(%arg17 : memref<80xi32, #tpu.memory_space<vmem>>) target_semaphore(%arg41 : memref<!tpu.dma_semaphore, #tpu.memory_space<semaphore_mem>>)
    %add3A_20 = arith.constant 240 : i32
    %add3A_21 = arith.addi %add3A, %add3A_20 : i32
    %dma_start3A_22 = tpu.memref_slice %arg2[%add3A_21] : memref<320000xi32, #tpu.memory_space<hbm>> -> memref<80xi32, #tpu.memory_space<hbm>>
    %dma_start3A_23 = tpu.memref_slice %arg2[%add3A_21] : memref<320000xi32, #tpu.memory_space<hbm>> -> memref<80xi32, #tpu.memory_space<hbm>>
    tpu.enqueue_dma source(%dma_start3A_23 : memref<80xi32, #tpu.memory_space<hbm>>) target(%arg10 : memref<80xi32, #tpu.memory_space<vmem>>) target_semaphore(%arg34 : memref<!tpu.dma_semaphore, #tpu.memory_space<semaphore_mem>>)
    %dma_start3A_24 = tpu.memref_slice %arg3[%add3A_21] : memref<320000xi32, #tpu.memory_space<hbm>> -> memref<80xi32, #tpu.memory_space<hbm>>
    %dma_start3A_25 = tpu.memref_slice %arg3[%add3A_21] : memref<320000xi32, #tpu.memory_space<hbm>> -> memref<80xi32, #tpu.memory_space<hbm>>
    tpu.enqueue_dma source(%dma_start3A_25 : memref<80xi32, #tpu.memory_space<hbm>>) target(%arg18 : memref<80xi32, #tpu.memory_space<vmem>>) target_semaphore(%arg42 : memref<!tpu.dma_semaphore, #tpu.memory_space<semaphore_mem>>)
    %add3A_26 = arith.constant 320 : i32
    %add3A_27 = arith.addi %add3A, %add3A_26 : i32
    %dma_start3A_28 = tpu.memref_slice %arg2[%add3A_27] : memref<320000xi32, #tpu.memory_space<hbm>> -> memref<80xi32, #tpu.memory_space<hbm>>
    %dma_start3A_29 = tpu.memref_slice %arg2[%add3A_27] : memref<320000xi32, #tpu.memory_space<hbm>> -> memref<80xi32, #tpu.memory_space<hbm>>
    tpu.enqueue_dma source(%dma_start3A_29 : memref<80xi32, #tpu.memory_space<hbm>>) target(%arg11 : memref<80xi32, #tpu.memory_space<vmem>>) target_semaphore(%arg35 : memref<!tpu.dma_semaphore, #tpu.memory_space<semaphore_mem>>)
    %dma_start3A_30 = tpu.memref_slice %arg3[%add3A_27] : memref<320000xi32, #tpu.memory_space<hbm>> -> memref<80xi32, #tpu.memory_space<hbm>>
    %dma_start3A_31 = tpu.memref_slice %arg3[%add3A_27] : memref<320000xi32, #tpu.memory_space<hbm>> -> memref<80xi32, #tpu.memory_space<hbm>>
    tpu.enqueue_dma source(%dma_start3A_31 : memref<80xi32, #tpu.memory_space<hbm>>) target(%arg19 : memref<80xi32, #tpu.memory_space<vmem>>) target_semaphore(%arg43 : memref<!tpu.dma_semaphore, #tpu.memory_space<semaphore_mem>>)
    %add3A_32 = arith.constant 400 : i32
    %add3A_33 = arith.addi %add3A, %add3A_32 : i32
    %dma_start3A_34 = tpu.memref_slice %arg2[%add3A_33] : memref<320000xi32, #tpu.memory_space<hbm>> -> memref<80xi32, #tpu.memory_space<hbm>>
    %dma_start3A_35 = tpu.memref_slice %arg2[%add3A_33] : memref<320000xi32, #tpu.memory_space<hbm>> -> memref<80xi32, #tpu.memory_space<hbm>>
    tpu.enqueue_dma source(%dma_start3A_35 : memref<80xi32, #tpu.memory_space<hbm>>) target(%arg12 : memref<80xi32, #tpu.memory_space<vmem>>) target_semaphore(%arg36 : memref<!tpu.dma_semaphore, #tpu.memory_space<semaphore_mem>>)
    %dma_start3A_36 = tpu.memref_slice %arg3[%add3A_33] : memref<320000xi32, #tpu.memory_space<hbm>> -> memref<80xi32, #tpu.memory_space<hbm>>
    %dma_start3A_37 = tpu.memref_slice %arg3[%add3A_33] : memref<320000xi32, #tpu.memory_space<hbm>> -> memref<80xi32, #tpu.memory_space<hbm>>
    tpu.enqueue_dma source(%dma_start3A_37 : memref<80xi32, #tpu.memory_space<hbm>>) target(%arg20 : memref<80xi32, #tpu.memory_space<vmem>>) target_semaphore(%arg44 : memref<!tpu.dma_semaphore, #tpu.memory_space<semaphore_mem>>)
    %add3A_38 = arith.constant 480 : i32
    %add3A_39 = arith.addi %add3A, %add3A_38 : i32
    %dma_start3A_40 = tpu.memref_slice %arg2[%add3A_39] : memref<320000xi32, #tpu.memory_space<hbm>> -> memref<80xi32, #tpu.memory_space<hbm>>
    %dma_start3A_41 = tpu.memref_slice %arg2[%add3A_39] : memref<320000xi32, #tpu.memory_space<hbm>> -> memref<80xi32, #tpu.memory_space<hbm>>
    tpu.enqueue_dma source(%dma_start3A_41 : memref<80xi32, #tpu.memory_space<hbm>>) target(%arg13 : memref<80xi32, #tpu.memory_space<vmem>>) target_semaphore(%arg37 : memref<!tpu.dma_semaphore, #tpu.memory_space<semaphore_mem>>)
    %dma_start3A_42 = tpu.memref_slice %arg3[%add3A_39] : memref<320000xi32, #tpu.memory_space<hbm>> -> memref<80xi32, #tpu.memory_space<hbm>>
    %dma_start3A_43 = tpu.memref_slice %arg3[%add3A_39] : memref<320000xi32, #tpu.memory_space<hbm>> -> memref<80xi32, #tpu.memory_space<hbm>>
    tpu.enqueue_dma source(%dma_start3A_43 : memref<80xi32, #tpu.memory_space<hbm>>) target(%arg21 : memref<80xi32, #tpu.memory_space<vmem>>) target_semaphore(%arg45 : memref<!tpu.dma_semaphore, #tpu.memory_space<semaphore_mem>>)
    %add3A_44 = arith.constant 560 : i32
    %add3A_45 = arith.addi %add3A, %add3A_44 : i32
    %dma_start3A_46 = tpu.memref_slice %arg2[%add3A_45] : memref<320000xi32, #tpu.memory_space<hbm>> -> memref<80xi32, #tpu.memory_space<hbm>>
    %dma_start3A_47 = tpu.memref_slice %arg2[%add3A_45] : memref<320000xi32, #tpu.memory_space<hbm>> -> memref<80xi32, #tpu.memory_space<hbm>>
    tpu.enqueue_dma source(%dma_start3A_47 : memref<80xi32, #tpu.memory_space<hbm>>) target(%arg14 : memref<80xi32, #tpu.memory_space<vmem>>) target_semaphore(%arg38 : memref<!tpu.dma_semaphore, #tpu.memory_space<semaphore_mem>>)
    %dma_start3A_48 = tpu.memref_slice %arg3[%add3A_45] : memref<320000xi32, #tpu.memory_space<hbm>> -> memref<80xi32, #tpu.memory_space<hbm>>
    %dma_start3A_49 = tpu.memref_slice %arg3[%add3A_45] : memref<320000xi32, #tpu.memory_space<hbm>> -> memref<80xi32, #tpu.memory_space<hbm>>
    tpu.enqueue_dma source(%dma_start3A_49 : memref<80xi32, #tpu.memory_space<hbm>>) target(%arg22 : memref<80xi32, #tpu.memory_space<vmem>>) target_semaphore(%arg46 : memref<!tpu.dma_semaphore, #tpu.memory_space<semaphore_mem>>)
    %mul3A_50 = arith.constant 640 : i32
    %mul3A_51 = arith.muli %arg1, %mul3A_50 : i32
    %eq3A = arith.constant 15 : i32
    %eq3A_52 = arith.cmpi eq, %arg1, %eq3A : i32
    %convert_element_type3A = arith.extui %eq3A_52 : i1 to i32
    %cond3A = arith.constant 0 : i32
    %cond3A_53 = arith.cmpi ne, %convert_element_type3A, %cond3A : i32
    scf.if %cond3A_53 {
      "tpu.region"() ({
        %run_scoped3A = tpu.sem_alloc : memref<!tpu.dma_semaphore, #tpu.memory_space<semaphore_mem>>
        %dma_start3A_132 = arith.constant 0 : i32
        %dma_start3A_133 = tpu.memref_slice %arg6[%mul3A_51, %dma_start3A_132] : memref<10000x128xbf16, #tpu.memory_space<vmem_shared>> -> memref<400x128xbf16, #tpu.memory_space<vmem_shared>>
        %dma_start3A_134 = arith.constant 0 : i32
        %dma_start3A_135 = tpu.memref_slice %arg4[%mul3A_51, %dma_start3A_134] : memref<10000x128xbf16, #tpu.memory_space<hbm>> -> memref<400x128xbf16, #tpu.memory_space<hbm>>
        tpu.enqueue_dma source(%dma_start3A_135 : memref<400x128xbf16, #tpu.memory_space<hbm>>) target(%dma_start3A_133 : memref<400x128xbf16, #tpu.memory_space<vmem_shared>>) target_semaphore(%run_scoped3A : memref<!tpu.dma_semaphore, #tpu.memory_space<semaphore_mem>>)
        %dma_wait3A_136 = arith.constant 0 : i32
        %dma_wait3A_137 = tpu.memref_slice %arg6[%mul3A_51, %dma_wait3A_136] : memref<10000x128xbf16, #tpu.memory_space<vmem_shared>> -> memref<400x128xbf16, #tpu.memory_space<vmem_shared>>
        %dma_wait3A_138 = arith.constant 0 : i32
        %dma_wait3A_139 = tpu.memref_slice %arg4[%mul3A_51, %dma_wait3A_138] : memref<10000x128xbf16, #tpu.memory_space<hbm>> -> memref<400x128xbf16, #tpu.memory_space<hbm>>
        tpu.wait_dma2 semaphore(%run_scoped3A : memref<!tpu.dma_semaphore, #tpu.memory_space<semaphore_mem>>) src(%dma_wait3A_139 : memref<400x128xbf16, #tpu.memory_space<hbm>>) dst(%dma_wait3A_137 : memref<400x128xbf16, #tpu.memory_space<vmem_shared>>)
        tpu.yield
      }) : () -> ()
    } else {
    }
    %ne3A = arith.constant 15 : i32
    %ne3A_54 = arith.cmpi ne, %arg1, %ne3A : i32
    %convert_element_type3A_55 = arith.extui %ne3A_54 : i1 to i32
    %cond3A_56 = arith.constant 0 : i32
    %cond3A_57 = arith.cmpi ne, %convert_element_type3A_55, %cond3A_56 : i32
    scf.if %cond3A_57 {
      "tpu.region"() ({
        %run_scoped3A = tpu.sem_alloc : memref<!tpu.dma_semaphore, #tpu.memory_space<semaphore_mem>>
        %dma_start3A_132 = arith.constant 0 : i32
        %dma_start3A_133 = tpu.memref_slice %arg6[%mul3A_51, %dma_start3A_132] : memref<10000x128xbf16, #tpu.memory_space<vmem_shared>> -> memref<640x128xbf16, #tpu.memory_space<vmem_shared>>
        %dma_start3A_134 = arith.constant 0 : i32
        %dma_start3A_135 = tpu.memref_slice %arg4[%mul3A_51, %dma_start3A_134] : memref<10000x128xbf16, #tpu.memory_space<hbm>> -> memref<640x128xbf16, #tpu.memory_space<hbm>>
        tpu.enqueue_dma source(%dma_start3A_135 : memref<640x128xbf16, #tpu.memory_space<hbm>>) target(%dma_start3A_133 : memref<640x128xbf16, #tpu.memory_space<vmem_shared>>) target_semaphore(%run_scoped3A : memref<!tpu.dma_semaphore, #tpu.memory_space<semaphore_mem>>)
        %dma_wait3A_136 = arith.constant 0 : i32
        %dma_wait3A_137 = tpu.memref_slice %arg6[%mul3A_51, %dma_wait3A_136] : memref<10000x128xbf16, #tpu.memory_space<vmem_shared>> -> memref<640x128xbf16, #tpu.memory_space<vmem_shared>>
        %dma_wait3A_138 = arith.constant 0 : i32
        %dma_wait3A_139 = tpu.memref_slice %arg4[%mul3A_51, %dma_wait3A_138] : memref<10000x128xbf16, #tpu.memory_space<hbm>> -> memref<640x128xbf16, #tpu.memory_space<hbm>>
        tpu.wait_dma2 semaphore(%run_scoped3A : memref<!tpu.dma_semaphore, #tpu.memory_space<semaphore_mem>>) src(%dma_wait3A_139 : memref<640x128xbf16, #tpu.memory_space<hbm>>) dst(%dma_wait3A_137 : memref<640x128xbf16, #tpu.memory_space<vmem_shared>>)
        tpu.yield
      }) : () -> ()
    } else {
    }
    %barrier3A = arith.constant 0 : index
    tpu.barrier barrier_id(%barrier3A)
    %dma_wait3A = tpu.memref_slice %arg2[%add3A] : memref<320000xi32, #tpu.memory_space<hbm>> -> memref<80xi32, #tpu.memory_space<hbm>>
    %dma_wait3A_58 = tpu.memref_slice %arg2[%add3A] : memref<320000xi32, #tpu.memory_space<hbm>> -> memref<80xi32, #tpu.memory_space<hbm>>
    tpu.wait_dma2 semaphore(%arg31 : memref<!tpu.dma_semaphore, #tpu.memory_space<semaphore_mem>>) src(%dma_wait3A_58 : memref<80xi32, #tpu.memory_space<hbm>>) dst(%arg7 : memref<80xi32, #tpu.memory_space<vmem>>)
    %dma_wait3A_59 = tpu.memref_slice %arg3[%add3A] : memref<320000xi32, #tpu.memory_space<hbm>> -> memref<80xi32, #tpu.memory_space<hbm>>
    %dma_wait3A_60 = tpu.memref_slice %arg3[%add3A] : memref<320000xi32, #tpu.memory_space<hbm>> -> memref<80xi32, #tpu.memory_space<hbm>>
    tpu.wait_dma2 semaphore(%arg39 : memref<!tpu.dma_semaphore, #tpu.memory_space<semaphore_mem>>) src(%dma_wait3A_60 : memref<80xi32, #tpu.memory_space<hbm>>) dst(%arg15 : memref<80xi32, #tpu.memory_space<vmem>>)
    %dma_start3A_61 = arith.constant 0 : i32
    %dma_start3A_62 = arith.constant 0 : i32
    %dma_start3A_63 = tpu.memref_slice %arg4[%dma_start3A_61, %dma_start3A_62] : memref<10000x128xbf16, #tpu.memory_space<hbm>> -> memref<10000x128xbf16, #tpu.memory_space<hbm>>
    tpu.enqueue_indirect_dma source(%dma_start3A_63 : memref<10000x128xbf16, #tpu.memory_space<hbm>>) target(%arg23 : memref<80x128xbf16, #tpu.memory_space<vmem>>) offsets(%arg7 : memref<80xi32, #tpu.memory_space<vmem>>) semaphore(%arg47 : memref<!tpu.dma_semaphore, #tpu.memory_space<semaphore_mem>>)
    %dma_wait3A_64 = tpu.memref_slice %arg2[%add3A] : memref<320000xi32, #tpu.memory_space<hbm>> -> memref<80xi32, #tpu.memory_space<hbm>>
    %dma_wait3A_65 = tpu.memref_slice %arg2[%add3A] : memref<320000xi32, #tpu.memory_space<hbm>> -> memref<80xi32, #tpu.memory_space<hbm>>
    tpu.wait_dma2 semaphore(%arg32 : memref<!tpu.dma_semaphore, #tpu.memory_space<semaphore_mem>>) src(%dma_wait3A_65 : memref<80xi32, #tpu.memory_space<hbm>>) dst(%arg8 : memref<80xi32, #tpu.memory_space<vmem>>)
    %dma_wait3A_66 = tpu.memref_slice %arg3[%add3A] : memref<320000xi32, #tpu.memory_space<hbm>> -> memref<80xi32, #tpu.memory_space<hbm>>
    %dma_wait3A_67 = tpu.memref_slice %arg3[%add3A] : memref<320000xi32, #tpu.memory_space<hbm>> -> memref<80xi32, #tpu.memory_space<hbm>>
    tpu.wait_dma2 semaphore(%arg40 : memref<!tpu.dma_semaphore, #tpu.memory_space<semaphore_mem>>) src(%dma_wait3A_67 : memref<80xi32, #tpu.memory_space<hbm>>) dst(%arg16 : memref<80xi32, #tpu.memory_space<vmem>>)
    %dma_start3A_68 = arith.constant 0 : i32
    %dma_start3A_69 = arith.constant 0 : i32
    %dma_start3A_70 = tpu.memref_slice %arg4[%dma_start3A_68, %dma_start3A_69] : memref<10000x128xbf16, #tpu.memory_space<hbm>> -> memref<10000x128xbf16, #tpu.memory_space<hbm>>
    tpu.enqueue_indirect_dma source(%dma_start3A_70 : memref<10000x128xbf16, #tpu.memory_space<hbm>>) target(%arg24 : memref<80x128xbf16, #tpu.memory_space<vmem>>) offsets(%arg8 : memref<80xi32, #tpu.memory_space<vmem>>) semaphore(%arg48 : memref<!tpu.dma_semaphore, #tpu.memory_space<semaphore_mem>>)
    %dma_wait3A_71 = tpu.memref_slice %arg2[%add3A] : memref<320000xi32, #tpu.memory_space<hbm>> -> memref<80xi32, #tpu.memory_space<hbm>>
    %dma_wait3A_72 = tpu.memref_slice %arg2[%add3A] : memref<320000xi32, #tpu.memory_space<hbm>> -> memref<80xi32, #tpu.memory_space<hbm>>
    tpu.wait_dma2 semaphore(%arg33 : memref<!tpu.dma_semaphore, #tpu.memory_space<semaphore_mem>>) src(%dma_wait3A_72 : memref<80xi32, #tpu.memory_space<hbm>>) dst(%arg9 : memref<80xi32, #tpu.memory_space<vmem>>)
    %dma_wait3A_73 = tpu.memref_slice %arg3[%add3A] : memref<320000xi32, #tpu.memory_space<hbm>> -> memref<80xi32, #tpu.memory_space<hbm>>
    %dma_wait3A_74 = tpu.memref_slice %arg3[%add3A] : memref<320000xi32, #tpu.memory_space<hbm>> -> memref<80xi32, #tpu.memory_space<hbm>>
    tpu.wait_dma2 semaphore(%arg41 : memref<!tpu.dma_semaphore, #tpu.memory_space<semaphore_mem>>) src(%dma_wait3A_74 : memref<80xi32, #tpu.memory_space<hbm>>) dst(%arg17 : memref<80xi32, #tpu.memory_space<vmem>>)
    %dma_start3A_75 = arith.constant 0 : i32
    %dma_start3A_76 = arith.constant 0 : i32
    %dma_start3A_77 = tpu.memref_slice %arg4[%dma_start3A_75, %dma_start3A_76] : memref<10000x128xbf16, #tpu.memory_space<hbm>> -> memref<10000x128xbf16, #tpu.memory_space<hbm>>
    tpu.enqueue_indirect_dma source(%dma_start3A_77 : memref<10000x128xbf16, #tpu.memory_space<hbm>>) target(%arg25 : memref<80x128xbf16, #tpu.memory_space<vmem>>) offsets(%arg9 : memref<80xi32, #tpu.memory_space<vmem>>) semaphore(%arg49 : memref<!tpu.dma_semaphore, #tpu.memory_space<semaphore_mem>>)
    %dma_wait3A_78 = tpu.memref_slice %arg2[%add3A] : memref<320000xi32, #tpu.memory_space<hbm>> -> memref<80xi32, #tpu.memory_space<hbm>>
    %dma_wait3A_79 = tpu.memref_slice %arg2[%add3A] : memref<320000xi32, #tpu.memory_space<hbm>> -> memref<80xi32, #tpu.memory_space<hbm>>
    tpu.wait_dma2 semaphore(%arg34 : memref<!tpu.dma_semaphore, #tpu.memory_space<semaphore_mem>>) src(%dma_wait3A_79 : memref<80xi32, #tpu.memory_space<hbm>>) dst(%arg10 : memref<80xi32, #tpu.memory_space<vmem>>)
    %dma_wait3A_80 = tpu.memref_slice %arg3[%add3A] : memref<320000xi32, #tpu.memory_space<hbm>> -> memref<80xi32, #tpu.memory_space<hbm>>
    %dma_wait3A_81 = tpu.memref_slice %arg3[%add3A] : memref<320000xi32, #tpu.memory_space<hbm>> -> memref<80xi32, #tpu.memory_space<hbm>>
    tpu.wait_dma2 semaphore(%arg42 : memref<!tpu.dma_semaphore, #tpu.memory_space<semaphore_mem>>) src(%dma_wait3A_81 : memref<80xi32, #tpu.memory_space<hbm>>) dst(%arg18 : memref<80xi32, #tpu.memory_space<vmem>>)
    %dma_start3A_82 = arith.constant 0 : i32
    %dma_start3A_83 = arith.constant 0 : i32
    %dma_start3A_84 = tpu.memref_slice %arg4[%dma_start3A_82, %dma_start3A_83] : memref<10000x128xbf16, #tpu.memory_space<hbm>> -> memref<10000x128xbf16, #tpu.memory_space<hbm>>
    tpu.enqueue_indirect_dma source(%dma_start3A_84 : memref<10000x128xbf16, #tpu.memory_space<hbm>>) target(%arg26 : memref<80x128xbf16, #tpu.memory_space<vmem>>) offsets(%arg10 : memref<80xi32, #tpu.memory_space<vmem>>) semaphore(%arg50 : memref<!tpu.dma_semaphore, #tpu.memory_space<semaphore_mem>>)
    %dma_wait3A_85 = tpu.memref_slice %arg2[%add3A] : memref<320000xi32, #tpu.memory_space<hbm>> -> memref<80xi32, #tpu.memory_space<hbm>>
    %dma_wait3A_86 = tpu.memref_slice %arg2[%add3A] : memref<320000xi32, #tpu.memory_space<hbm>> -> memref<80xi32, #tpu.memory_space<hbm>>
    tpu.wait_dma2 semaphore(%arg35 : memref<!tpu.dma_semaphore, #tpu.memory_space<semaphore_mem>>) src(%dma_wait3A_86 : memref<80xi32, #tpu.memory_space<hbm>>) dst(%arg11 : memref<80xi32, #tpu.memory_space<vmem>>)
    %dma_wait3A_87 = tpu.memref_slice %arg3[%add3A] : memref<320000xi32, #tpu.memory_space<hbm>> -> memref<80xi32, #tpu.memory_space<hbm>>
    %dma_wait3A_88 = tpu.memref_slice %arg3[%add3A] : memref<320000xi32, #tpu.memory_space<hbm>> -> memref<80xi32, #tpu.memory_space<hbm>>
    tpu.wait_dma2 semaphore(%arg43 : memref<!tpu.dma_semaphore, #tpu.memory_space<semaphore_mem>>) src(%dma_wait3A_88 : memref<80xi32, #tpu.memory_space<hbm>>) dst(%arg19 : memref<80xi32, #tpu.memory_space<vmem>>)
    %dma_start3A_89 = arith.constant 0 : i32
    %dma_start3A_90 = arith.constant 0 : i32
    %dma_start3A_91 = tpu.memref_slice %arg4[%dma_start3A_89, %dma_start3A_90] : memref<10000x128xbf16, #tpu.memory_space<hbm>> -> memref<10000x128xbf16, #tpu.memory_space<hbm>>
    tpu.enqueue_indirect_dma source(%dma_start3A_91 : memref<10000x128xbf16, #tpu.memory_space<hbm>>) target(%arg27 : memref<80x128xbf16, #tpu.memory_space<vmem>>) offsets(%arg11 : memref<80xi32, #tpu.memory_space<vmem>>) semaphore(%arg51 : memref<!tpu.dma_semaphore, #tpu.memory_space<semaphore_mem>>)
    %dma_wait3A_92 = tpu.memref_slice %arg2[%add3A] : memref<320000xi32, #tpu.memory_space<hbm>> -> memref<80xi32, #tpu.memory_space<hbm>>
    %dma_wait3A_93 = tpu.memref_slice %arg2[%add3A] : memref<320000xi32, #tpu.memory_space<hbm>> -> memref<80xi32, #tpu.memory_space<hbm>>
    tpu.wait_dma2 semaphore(%arg36 : memref<!tpu.dma_semaphore, #tpu.memory_space<semaphore_mem>>) src(%dma_wait3A_93 : memref<80xi32, #tpu.memory_space<hbm>>) dst(%arg12 : memref<80xi32, #tpu.memory_space<vmem>>)
    %dma_wait3A_94 = tpu.memref_slice %arg3[%add3A] : memref<320000xi32, #tpu.memory_space<hbm>> -> memref<80xi32, #tpu.memory_space<hbm>>
    %dma_wait3A_95 = tpu.memref_slice %arg3[%add3A] : memref<320000xi32, #tpu.memory_space<hbm>> -> memref<80xi32, #tpu.memory_space<hbm>>
    tpu.wait_dma2 semaphore(%arg44 : memref<!tpu.dma_semaphore, #tpu.memory_space<semaphore_mem>>) src(%dma_wait3A_95 : memref<80xi32, #tpu.memory_space<hbm>>) dst(%arg20 : memref<80xi32, #tpu.memory_space<vmem>>)
    %dma_start3A_96 = arith.constant 0 : i32
    %dma_start3A_97 = arith.constant 0 : i32
    %dma_start3A_98 = tpu.memref_slice %arg4[%dma_start3A_96, %dma_start3A_97] : memref<10000x128xbf16, #tpu.memory_space<hbm>> -> memref<10000x128xbf16, #tpu.memory_space<hbm>>
    tpu.enqueue_indirect_dma source(%dma_start3A_98 : memref<10000x128xbf16, #tpu.memory_space<hbm>>) target(%arg28 : memref<80x128xbf16, #tpu.memory_space<vmem>>) offsets(%arg12 : memref<80xi32, #tpu.memory_space<vmem>>) semaphore(%arg52 : memref<!tpu.dma_semaphore, #tpu.memory_space<semaphore_mem>>)
    %scan3A = arith.constant 0 : i32
    %scan3A_99 = arith.constant 0 : i32
    %scan3A_100 = arith.constant 15 : i32
    %scan3A_101 = arith.addi %scan3A_99, %scan3A_100 : i32
    %scan3A_102 = arith.constant 1 : i32
    scf.for %scan3A_132 = %scan3A_99 to %scan3A_101 step %scan3A_102  : i32 {
      %mul3A_133 = arith.constant 8 : i32
      %mul3A_134 = arith.muli %mul3A_133, %scan3A_132 : i32
      %add3A_135 = arith.constant 0 : i32
      %add3A_136 = arith.addi %mul3A_134, %add3A_135 : i32
      %dma_wait3A_137 = arith.constant 0 : i32
      %dma_wait3A_138 = arith.constant 0 : i32
      %dma_wait3A_139 = tpu.memref_slice %arg4[%dma_wait3A_137, %dma_wait3A_138] : memref<10000x128xbf16, #tpu.memory_space<hbm>> -> memref<10000x128xbf16, #tpu.memory_space<hbm>>
      tpu.wait_indirect_dma semaphore(%arg47 : memref<!tpu.dma_semaphore, #tpu.memory_space<semaphore_mem>>) src(%dma_wait3A_139 : memref<10000x128xbf16, #tpu.memory_space<hbm>>) dst(%arg23 : memref<80x128xbf16, #tpu.memory_space<vmem>>)
      "tpu.region"() ({
        %run_scoped3A = tpu.sem_alloc : memref<!tpu.dma_semaphore, #tpu.memory_space<semaphore_mem>>
        %dma_start3A_301 = arith.constant 0 : i32
        %dma_start3A_302 = arith.constant 0 : i32
        %dma_start3A_303 = tpu.memref_slice %arg6[%dma_start3A_301, %dma_start3A_302] : memref<10000x128xbf16, #tpu.memory_space<vmem_shared>> -> memref<10000x128xbf16, #tpu.memory_space<vmem_shared>>
        tpu.enqueue_indirect_dma source(%arg23 : memref<80x128xbf16, #tpu.memory_space<vmem>>) target(%dma_start3A_303 : memref<10000x128xbf16, #tpu.memory_space<vmem_shared>>) offsets(%arg15 : memref<80xi32, #tpu.memory_space<vmem>>) semaphore(%run_scoped3A : memref<!tpu.dma_semaphore, #tpu.memory_space<semaphore_mem>>) {add = true}
        %dma_wait3A_304 = arith.constant 0 : i32
        %dma_wait3A_305 = arith.constant 0 : i32
        %dma_wait3A_306 = tpu.memref_slice %arg6[%dma_wait3A_304, %dma_wait3A_305] : memref<10000x128xbf16, #tpu.memory_space<vmem_shared>> -> memref<10000x128xbf16, #tpu.memory_space<vmem_shared>>
        tpu.wait_indirect_dma semaphore(%run_scoped3A : memref<!tpu.dma_semaphore, #tpu.memory_space<semaphore_mem>>) src(%arg23 : memref<80x128xbf16, #tpu.memory_space<vmem>>) dst(%dma_wait3A_306 : memref<10000x128xbf16, #tpu.memory_space<vmem_shared>>)
        tpu.yield
      }) : () -> ()
      %add3A_140 = arith.constant 8 : i32
      %add3A_141 = arith.addi %add3A_136, %add3A_140 : i32
      %lt3A = arith.constant 125 : i32
      %lt3A_142 = arith.cmpi slt, %add3A_141, %lt3A : i32
      %convert_element_type3A_143 = arith.extui %lt3A_142 : i1 to i32
      %cond3A_144 = arith.constant 0 : i32
      %cond3A_145 = arith.cmpi ne, %convert_element_type3A_143, %cond3A_144 : i32
      scf.if %cond3A_145 {
        %add3A_301 = arith.constant 8 : i32
        %add3A_302 = arith.addi %add3A_136, %add3A_301 : i32
        %mul3A_303 = arith.constant 80 : i32
        %mul3A_304 = arith.muli %add3A_302, %mul3A_303 : i32
        %add3A_305 = arith.addi %add3A, %mul3A_304 : i32
        %dma_start3A_306 = tpu.memref_slice %arg2[%add3A_305] : memref<320000xi32, #tpu.memory_space<hbm>> -> memref<80xi32, #tpu.memory_space<hbm>>
        %dma_start3A_307 = tpu.memref_slice %arg2[%add3A_305] : memref<320000xi32, #tpu.memory_space<hbm>> -> memref<80xi32, #tpu.memory_space<hbm>>
        tpu.enqueue_dma source(%dma_start3A_307 : memref<80xi32, #tpu.memory_space<hbm>>) target(%arg7 : memref<80xi32, #tpu.memory_space<vmem>>) target_semaphore(%arg31 : memref<!tpu.dma_semaphore, #tpu.memory_space<semaphore_mem>>)
        %dma_start3A_308 = tpu.memref_slice %arg3[%add3A_305] : memref<320000xi32, #tpu.memory_space<hbm>> -> memref<80xi32, #tpu.memory_space<hbm>>
        %dma_start3A_309 = tpu.memref_slice %arg3[%add3A_305] : memref<320000xi32, #tpu.memory_space<hbm>> -> memref<80xi32, #tpu.memory_space<hbm>>
        tpu.enqueue_dma source(%dma_start3A_309 : memref<80xi32, #tpu.memory_space<hbm>>) target(%arg15 : memref<80xi32, #tpu.memory_space<vmem>>) target_semaphore(%arg39 : memref<!tpu.dma_semaphore, #tpu.memory_space<semaphore_mem>>)
      } else {
      }
      %add3A_146 = arith.constant 8 : i32
      %add3A_147 = arith.addi %add3A_136, %add3A_146 : i32
      %sub3A = arith.constant 2 : i32
      %sub3A_148 = arith.subi %add3A_147, %sub3A : i32
      %lt3A_149 = arith.constant 125 : i32
      %lt3A_150 = arith.cmpi slt, %sub3A_148, %lt3A_149 : i32
      %convert_element_type3A_151 = arith.extui %lt3A_150 : i1 to i32
      %cond3A_152 = arith.constant 0 : i32
      %cond3A_153 = arith.cmpi ne, %convert_element_type3A_151, %cond3A_152 : i32
      scf.if %cond3A_153 {
        %dma_wait3A_301 = tpu.memref_slice %arg2[%add3A] : memref<320000xi32, #tpu.memory_space<hbm>> -> memref<80xi32, #tpu.memory_space<hbm>>
        %dma_wait3A_302 = tpu.memref_slice %arg2[%add3A] : memref<320000xi32, #tpu.memory_space<hbm>> -> memref<80xi32, #tpu.memory_space<hbm>>
        tpu.wait_dma2 semaphore(%arg37 : memref<!tpu.dma_semaphore, #tpu.memory_space<semaphore_mem>>) src(%dma_wait3A_302 : memref<80xi32, #tpu.memory_space<hbm>>) dst(%arg13 : memref<80xi32, #tpu.memory_space<vmem>>)
        %dma_wait3A_303 = tpu.memref_slice %arg3[%add3A] : memref<320000xi32, #tpu.memory_space<hbm>> -> memref<80xi32, #tpu.memory_space<hbm>>
        %dma_wait3A_304 = tpu.memref_slice %arg3[%add3A] : memref<320000xi32, #tpu.memory_space<hbm>> -> memref<80xi32, #tpu.memory_space<hbm>>
        tpu.wait_dma2 semaphore(%arg45 : memref<!tpu.dma_semaphore, #tpu.memory_space<semaphore_mem>>) src(%dma_wait3A_304 : memref<80xi32, #tpu.memory_space<hbm>>) dst(%arg21 : memref<80xi32, #tpu.memory_space<vmem>>)
        %dma_start3A_305 = arith.constant 0 : i32
        %dma_start3A_306 = arith.constant 0 : i32
        %dma_start3A_307 = tpu.memref_slice %arg4[%dma_start3A_305, %dma_start3A_306] : memref<10000x128xbf16, #tpu.memory_space<hbm>> -> memref<10000x128xbf16, #tpu.memory_space<hbm>>
        tpu.enqueue_indirect_dma source(%dma_start3A_307 : memref<10000x128xbf16, #tpu.memory_space<hbm>>) target(%arg29 : memref<80x128xbf16, #tpu.memory_space<vmem>>) offsets(%arg13 : memref<80xi32, #tpu.memory_space<vmem>>) semaphore(%arg53 : memref<!tpu.dma_semaphore, #tpu.memory_space<semaphore_mem>>)
      } else {
      }
      %add3A_154 = arith.constant 1 : i32
      %add3A_155 = arith.addi %mul3A_134, %add3A_154 : i32
      %dma_wait3A_156 = arith.constant 0 : i32
      %dma_wait3A_157 = arith.constant 0 : i32
      %dma_wait3A_158 = tpu.memref_slice %arg4[%dma_wait3A_156, %dma_wait3A_157] : memref<10000x128xbf16, #tpu.memory_space<hbm>> -> memref<10000x128xbf16, #tpu.memory_space<hbm>>
      tpu.wait_indirect_dma semaphore(%arg48 : memref<!tpu.dma_semaphore, #tpu.memory_space<semaphore_mem>>) src(%dma_wait3A_158 : memref<10000x128xbf16, #tpu.memory_space<hbm>>) dst(%arg24 : memref<80x128xbf16, #tpu.memory_space<vmem>>)
      "tpu.region"() ({
        %run_scoped3A = tpu.sem_alloc : memref<!tpu.dma_semaphore, #tpu.memory_space<semaphore_mem>>
        %dma_start3A_301 = arith.constant 0 : i32
        %dma_start3A_302 = arith.constant 0 : i32
        %dma_start3A_303 = tpu.memref_slice %arg6[%dma_start3A_301, %dma_start3A_302] : memref<10000x128xbf16, #tpu.memory_space<vmem_shared>> -> memref<10000x128xbf16, #tpu.memory_space<vmem_shared>>
        tpu.enqueue_indirect_dma source(%arg24 : memref<80x128xbf16, #tpu.memory_space<vmem>>) target(%dma_start3A_303 : memref<10000x128xbf16, #tpu.memory_space<vmem_shared>>) offsets(%arg16 : memref<80xi32, #tpu.memory_space<vmem>>) semaphore(%run_scoped3A : memref<!tpu.dma_semaphore, #tpu.memory_space<semaphore_mem>>) {add = true}
        %dma_wait3A_304 = arith.constant 0 : i32
        %dma_wait3A_305 = arith.constant 0 : i32
        %dma_wait3A_306 = tpu.memref_slice %arg6[%dma_wait3A_304, %dma_wait3A_305] : memref<10000x128xbf16, #tpu.memory_space<vmem_shared>> -> memref<10000x128xbf16, #tpu.memory_space<vmem_shared>>
        tpu.wait_indirect_dma semaphore(%run_scoped3A : memref<!tpu.dma_semaphore, #tpu.memory_space<semaphore_mem>>) src(%arg24 : memref<80x128xbf16, #tpu.memory_space<vmem>>) dst(%dma_wait3A_306 : memref<10000x128xbf16, #tpu.memory_space<vmem_shared>>)
        tpu.yield
      }) : () -> ()
      %add3A_159 = arith.constant 8 : i32
      %add3A_160 = arith.addi %add3A_155, %add3A_159 : i32
      %lt3A_161 = arith.constant 125 : i32
      %lt3A_162 = arith.cmpi slt, %add3A_160, %lt3A_161 : i32
      %convert_element_type3A_163 = arith.extui %lt3A_162 : i1 to i32
      %cond3A_164 = arith.constant 0 : i32
      %cond3A_165 = arith.cmpi ne, %convert_element_type3A_163, %cond3A_164 : i32
      scf.if %cond3A_165 {
        %add3A_301 = arith.constant 8 : i32
        %add3A_302 = arith.addi %add3A_155, %add3A_301 : i32
        %mul3A_303 = arith.constant 80 : i32
        %mul3A_304 = arith.muli %add3A_302, %mul3A_303 : i32
        %add3A_305 = arith.addi %add3A, %mul3A_304 : i32
        %dma_start3A_306 = tpu.memref_slice %arg2[%add3A_305] : memref<320000xi32, #tpu.memory_space<hbm>> -> memref<80xi32, #tpu.memory_space<hbm>>
        %dma_start3A_307 = tpu.memref_slice %arg2[%add3A_305] : memref<320000xi32, #tpu.memory_space<hbm>> -> memref<80xi32, #tpu.memory_space<hbm>>
        tpu.enqueue_dma source(%dma_start3A_307 : memref<80xi32, #tpu.memory_space<hbm>>) target(%arg8 : memref<80xi32, #tpu.memory_space<vmem>>) target_semaphore(%arg32 : memref<!tpu.dma_semaphore, #tpu.memory_space<semaphore_mem>>)
        %dma_start3A_308 = tpu.memref_slice %arg3[%add3A_305] : memref<320000xi32, #tpu.memory_space<hbm>> -> memref<80xi32, #tpu.memory_space<hbm>>
        %dma_start3A_309 = tpu.memref_slice %arg3[%add3A_305] : memref<320000xi32, #tpu.memory_space<hbm>> -> memref<80xi32, #tpu.memory_space<hbm>>
        tpu.enqueue_dma source(%dma_start3A_309 : memref<80xi32, #tpu.memory_space<hbm>>) target(%arg16 : memref<80xi32, #tpu.memory_space<vmem>>) target_semaphore(%arg40 : memref<!tpu.dma_semaphore, #tpu.memory_space<semaphore_mem>>)
      } else {
      }
      %add3A_166 = arith.constant 8 : i32
      %add3A_167 = arith.addi %add3A_155, %add3A_166 : i32
      %sub3A_168 = arith.constant 2 : i32
      %sub3A_169 = arith.subi %add3A_167, %sub3A_168 : i32
      %lt3A_170 = arith.constant 125 : i32
      %lt3A_171 = arith.cmpi slt, %sub3A_169, %lt3A_170 : i32
      %convert_element_type3A_172 = arith.extui %lt3A_171 : i1 to i32
      %cond3A_173 = arith.constant 0 : i32
      %cond3A_174 = arith.cmpi ne, %convert_element_type3A_172, %cond3A_173 : i32
      scf.if %cond3A_174 {
        %dma_wait3A_301 = tpu.memref_slice %arg2[%add3A] : memref<320000xi32, #tpu.memory_space<hbm>> -> memref<80xi32, #tpu.memory_space<hbm>>
        %dma_wait3A_302 = tpu.memref_slice %arg2[%add3A] : memref<320000xi32, #tpu.memory_space<hbm>> -> memref<80xi32, #tpu.memory_space<hbm>>
        tpu.wait_dma2 semaphore(%arg38 : memref<!tpu.dma_semaphore, #tpu.memory_space<semaphore_mem>>) src(%dma_wait3A_302 : memref<80xi32, #tpu.memory_space<hbm>>) dst(%arg14 : memref<80xi32, #tpu.memory_space<vmem>>)
        %dma_wait3A_303 = tpu.memref_slice %arg3[%add3A] : memref<320000xi32, #tpu.memory_space<hbm>> -> memref<80xi32, #tpu.memory_space<hbm>>
        %dma_wait3A_304 = tpu.memref_slice %arg3[%add3A] : memref<320000xi32, #tpu.memory_space<hbm>> -> memref<80xi32, #tpu.memory_space<hbm>>
        tpu.wait_dma2 semaphore(%arg46 : memref<!tpu.dma_semaphore, #tpu.memory_space<semaphore_mem>>) src(%dma_wait3A_304 : memref<80xi32, #tpu.memory_space<hbm>>) dst(%arg22 : memref<80xi32, #tpu.memory_space<vmem>>)
        %dma_start3A_305 = arith.constant 0 : i32
        %dma_start3A_306 = arith.constant 0 : i32
        %dma_start3A_307 = tpu.memref_slice %arg4[%dma_start3A_305, %dma_start3A_306] : memref<10000x128xbf16, #tpu.memory_space<hbm>> -> memref<10000x128xbf16, #tpu.memory_space<hbm>>
        tpu.enqueue_indirect_dma source(%dma_start3A_307 : memref<10000x128xbf16, #tpu.memory_space<hbm>>) target(%arg30 : memref<80x128xbf16, #tpu.memory_space<vmem>>) offsets(%arg14 : memref<80xi32, #tpu.memory_space<vmem>>) semaphore(%arg54 : memref<!tpu.dma_semaphore, #tpu.memory_space<semaphore_mem>>)
      } else {
      }
      %add3A_175 = arith.constant 2 : i32
      %add3A_176 = arith.addi %mul3A_134, %add3A_175 : i32
      %dma_wait3A_177 = arith.constant 0 : i32
      %dma_wait3A_178 = arith.constant 0 : i32
      %dma_wait3A_179 = tpu.memref_slice %arg4[%dma_wait3A_177, %dma_wait3A_178] : memref<10000x128xbf16, #tpu.memory_space<hbm>> -> memref<10000x128xbf16, #tpu.memory_space<hbm>>
      tpu.wait_indirect_dma semaphore(%arg49 : memref<!tpu.dma_semaphore, #tpu.memory_space<semaphore_mem>>) src(%dma_wait3A_179 : memref<10000x128xbf16, #tpu.memory_space<hbm>>) dst(%arg25 : memref<80x128xbf16, #tpu.memory_space<vmem>>)
      "tpu.region"() ({
        %run_scoped3A = tpu.sem_alloc : memref<!tpu.dma_semaphore, #tpu.memory_space<semaphore_mem>>
        %dma_start3A_301 = arith.constant 0 : i32
        %dma_start3A_302 = arith.constant 0 : i32
        %dma_start3A_303 = tpu.memref_slice %arg6[%dma_start3A_301, %dma_start3A_302] : memref<10000x128xbf16, #tpu.memory_space<vmem_shared>> -> memref<10000x128xbf16, #tpu.memory_space<vmem_shared>>
        tpu.enqueue_indirect_dma source(%arg25 : memref<80x128xbf16, #tpu.memory_space<vmem>>) target(%dma_start3A_303 : memref<10000x128xbf16, #tpu.memory_space<vmem_shared>>) offsets(%arg17 : memref<80xi32, #tpu.memory_space<vmem>>) semaphore(%run_scoped3A : memref<!tpu.dma_semaphore, #tpu.memory_space<semaphore_mem>>) {add = true}
        %dma_wait3A_304 = arith.constant 0 : i32
        %dma_wait3A_305 = arith.constant 0 : i32
        %dma_wait3A_306 = tpu.memref_slice %arg6[%dma_wait3A_304, %dma_wait3A_305] : memref<10000x128xbf16, #tpu.memory_space<vmem_shared>> -> memref<10000x128xbf16, #tpu.memory_space<vmem_shared>>
        tpu.wait_indirect_dma semaphore(%run_scoped3A : memref<!tpu.dma_semaphore, #tpu.memory_space<semaphore_mem>>) src(%arg25 : memref<80x128xbf16, #tpu.memory_space<vmem>>) dst(%dma_wait3A_306 : memref<10000x128xbf16, #tpu.memory_space<vmem_shared>>)
        tpu.yield
      }) : () -> ()
      %add3A_180 = arith.constant 8 : i32
      %add3A_181 = arith.addi %add3A_176, %add3A_180 : i32
      %lt3A_182 = arith.constant 125 : i32
      %lt3A_183 = arith.cmpi slt, %add3A_181, %lt3A_182 : i32
      %convert_element_type3A_184 = arith.extui %lt3A_183 : i1 to i32
      %cond3A_185 = arith.constant 0 : i32
      %cond3A_186 = arith.cmpi ne, %convert_element_type3A_184, %cond3A_185 : i32
      scf.if %cond3A_186 {
        %add3A_301 = arith.constant 8 : i32
        %add3A_302 = arith.addi %add3A_176, %add3A_301 : i32
        %mul3A_303 = arith.constant 80 : i32
        %mul3A_304 = arith.muli %add3A_302, %mul3A_303 : i32
        %add3A_305 = arith.addi %add3A, %mul3A_304 : i32
        %dma_start3A_306 = tpu.memref_slice %arg2[%add3A_305] : memref<320000xi32, #tpu.memory_space<hbm>> -> memref<80xi32, #tpu.memory_space<hbm>>
        %dma_start3A_307 = tpu.memref_slice %arg2[%add3A_305] : memref<320000xi32, #tpu.memory_space<hbm>> -> memref<80xi32, #tpu.memory_space<hbm>>
        tpu.enqueue_dma source(%dma_start3A_307 : memref<80xi32, #tpu.memory_space<hbm>>) target(%arg9 : memref<80xi32, #tpu.memory_space<vmem>>) target_semaphore(%arg33 : memref<!tpu.dma_semaphore, #tpu.memory_space<semaphore_mem>>)
        %dma_start3A_308 = tpu.memref_slice %arg3[%add3A_305] : memref<320000xi32, #tpu.memory_space<hbm>> -> memref<80xi32, #tpu.memory_space<hbm>>
        %dma_start3A_309 = tpu.memref_slice %arg3[%add3A_305] : memref<320000xi32, #tpu.memory_space<hbm>> -> memref<80xi32, #tpu.memory_space<hbm>>
        tpu.enqueue_dma source(%dma_start3A_309 : memref<80xi32, #tpu.memory_space<hbm>>) target(%arg17 : memref<80xi32, #tpu.memory_space<vmem>>) target_semaphore(%arg41 : memref<!tpu.dma_semaphore, #tpu.memory_space<semaphore_mem>>)
      } else {
      }
      %add3A_187 = arith.constant 8 : i32
      %add3A_188 = arith.addi %add3A_176, %add3A_187 : i32
      %sub3A_189 = arith.constant 2 : i32
      %sub3A_190 = arith.subi %add3A_188, %sub3A_189 : i32
      %lt3A_191 = arith.constant 125 : i32
      %lt3A_192 = arith.cmpi slt, %sub3A_190, %lt3A_191 : i32
      %convert_element_type3A_193 = arith.extui %lt3A_192 : i1 to i32
      %cond3A_194 = arith.constant 0 : i32
      %cond3A_195 = arith.cmpi ne, %convert_element_type3A_193, %cond3A_194 : i32
      scf.if %cond3A_195 {
        %dma_wait3A_301 = tpu.memref_slice %arg2[%add3A] : memref<320000xi32, #tpu.memory_space<hbm>> -> memref<80xi32, #tpu.memory_space<hbm>>
        %dma_wait3A_302 = tpu.memref_slice %arg2[%add3A] : memref<320000xi32, #tpu.memory_space<hbm>> -> memref<80xi32, #tpu.memory_space<hbm>>
        tpu.wait_dma2 semaphore(%arg31 : memref<!tpu.dma_semaphore, #tpu.memory_space<semaphore_mem>>) src(%dma_wait3A_302 : memref<80xi32, #tpu.memory_space<hbm>>) dst(%arg7 : memref<80xi32, #tpu.memory_space<vmem>>)
        %dma_wait3A_303 = tpu.memref_slice %arg3[%add3A] : memref<320000xi32, #tpu.memory_space<hbm>> -> memref<80xi32, #tpu.memory_space<hbm>>
        %dma_wait3A_304 = tpu.memref_slice %arg3[%add3A] : memref<320000xi32, #tpu.memory_space<hbm>> -> memref<80xi32, #tpu.memory_space<hbm>>
        tpu.wait_dma2 semaphore(%arg39 : memref<!tpu.dma_semaphore, #tpu.memory_space<semaphore_mem>>) src(%dma_wait3A_304 : memref<80xi32, #tpu.memory_space<hbm>>) dst(%arg15 : memref<80xi32, #tpu.memory_space<vmem>>)
        %dma_start3A_305 = arith.constant 0 : i32
        %dma_start3A_306 = arith.constant 0 : i32
        %dma_start3A_307 = tpu.memref_slice %arg4[%dma_start3A_305, %dma_start3A_306] : memref<10000x128xbf16, #tpu.memory_space<hbm>> -> memref<10000x128xbf16, #tpu.memory_space<hbm>>
        tpu.enqueue_indirect_dma source(%dma_start3A_307 : memref<10000x128xbf16, #tpu.memory_space<hbm>>) target(%arg23 : memref<80x128xbf16, #tpu.memory_space<vmem>>) offsets(%arg7 : memref<80xi32, #tpu.memory_space<vmem>>) semaphore(%arg47 : memref<!tpu.dma_semaphore, #tpu.memory_space<semaphore_mem>>)
      } else {
      }
      %add3A_196 = arith.constant 3 : i32
      %add3A_197 = arith.addi %mul3A_134, %add3A_196 : i32
      %dma_wait3A_198 = arith.constant 0 : i32
      %dma_wait3A_199 = arith.constant 0 : i32
      %dma_wait3A_200 = tpu.memref_slice %arg4[%dma_wait3A_198, %dma_wait3A_199] : memref<10000x128xbf16, #tpu.memory_space<hbm>> -> memref<10000x128xbf16, #tpu.memory_space<hbm>>
      tpu.wait_indirect_dma semaphore(%arg50 : memref<!tpu.dma_semaphore, #tpu.memory_space<semaphore_mem>>) src(%dma_wait3A_200 : memref<10000x128xbf16, #tpu.memory_space<hbm>>) dst(%arg26 : memref<80x128xbf16, #tpu.memory_space<vmem>>)
      "tpu.region"() ({
        %run_scoped3A = tpu.sem_alloc : memref<!tpu.dma_semaphore, #tpu.memory_space<semaphore_mem>>
        %dma_start3A_301 = arith.constant 0 : i32
        %dma_start3A_302 = arith.constant 0 : i32
        %dma_start3A_303 = tpu.memref_slice %arg6[%dma_start3A_301, %dma_start3A_302] : memref<10000x128xbf16, #tpu.memory_space<vmem_shared>> -> memref<10000x128xbf16, #tpu.memory_space<vmem_shared>>
        tpu.enqueue_indirect_dma source(%arg26 : memref<80x128xbf16, #tpu.memory_space<vmem>>) target(%dma_start3A_303 : memref<10000x128xbf16, #tpu.memory_space<vmem_shared>>) offsets(%arg18 : memref<80xi32, #tpu.memory_space<vmem>>) semaphore(%run_scoped3A : memref<!tpu.dma_semaphore, #tpu.memory_space<semaphore_mem>>) {add = true}
        %dma_wait3A_304 = arith.constant 0 : i32
        %dma_wait3A_305 = arith.constant 0 : i32
        %dma_wait3A_306 = tpu.memref_slice %arg6[%dma_wait3A_304, %dma_wait3A_305] : memref<10000x128xbf16, #tpu.memory_space<vmem_shared>> -> memref<10000x128xbf16, #tpu.memory_space<vmem_shared>>
        tpu.wait_indirect_dma semaphore(%run_scoped3A : memref<!tpu.dma_semaphore, #tpu.memory_space<semaphore_mem>>) src(%arg26 : memref<80x128xbf16, #tpu.memory_space<vmem>>) dst(%dma_wait3A_306 : memref<10000x128xbf16, #tpu.memory_space<vmem_shared>>)
        tpu.yield
      }) : () -> ()
      %add3A_201 = arith.constant 8 : i32
      %add3A_202 = arith.addi %add3A_197, %add3A_201 : i32
      %lt3A_203 = arith.constant 125 : i32
      %lt3A_204 = arith.cmpi slt, %add3A_202, %lt3A_203 : i32
      %convert_element_type3A_205 = arith.extui %lt3A_204 : i1 to i32
      %cond3A_206 = arith.constant 0 : i32
      %cond3A_207 = arith.cmpi ne, %convert_element_type3A_205, %cond3A_206 : i32
      scf.if %cond3A_207 {
        %add3A_301 = arith.constant 8 : i32
        %add3A_302 = arith.addi %add3A_197, %add3A_301 : i32
        %mul3A_303 = arith.constant 80 : i32
        %mul3A_304 = arith.muli %add3A_302, %mul3A_303 : i32
        %add3A_305 = arith.addi %add3A, %mul3A_304 : i32
        %dma_start3A_306 = tpu.memref_slice %arg2[%add3A_305] : memref<320000xi32, #tpu.memory_space<hbm>> -> memref<80xi32, #tpu.memory_space<hbm>>
        %dma_start3A_307 = tpu.memref_slice %arg2[%add3A_305] : memref<320000xi32, #tpu.memory_space<hbm>> -> memref<80xi32, #tpu.memory_space<hbm>>
        tpu.enqueue_dma source(%dma_start3A_307 : memref<80xi32, #tpu.memory_space<hbm>>) target(%arg10 : memref<80xi32, #tpu.memory_space<vmem>>) target_semaphore(%arg34 : memref<!tpu.dma_semaphore, #tpu.memory_space<semaphore_mem>>)
        %dma_start3A_308 = tpu.memref_slice %arg3[%add3A_305] : memref<320000xi32, #tpu.memory_space<hbm>> -> memref<80xi32, #tpu.memory_space<hbm>>
        %dma_start3A_309 = tpu.memref_slice %arg3[%add3A_305] : memref<320000xi32, #tpu.memory_space<hbm>> -> memref<80xi32, #tpu.memory_space<hbm>>
        tpu.enqueue_dma source(%dma_start3A_309 : memref<80xi32, #tpu.memory_space<hbm>>) target(%arg18 : memref<80xi32, #tpu.memory_space<vmem>>) target_semaphore(%arg42 : memref<!tpu.dma_semaphore, #tpu.memory_space<semaphore_mem>>)
      } else {
      }
      %add3A_208 = arith.constant 8 : i32
      %add3A_209 = arith.addi %add3A_197, %add3A_208 : i32
      %sub3A_210 = arith.constant 2 : i32
      %sub3A_211 = arith.subi %add3A_209, %sub3A_210 : i32
      %lt3A_212 = arith.constant 125 : i32
      %lt3A_213 = arith.cmpi slt, %sub3A_211, %lt3A_212 : i32
      %convert_element_type3A_214 = arith.extui %lt3A_213 : i1 to i32
      %cond3A_215 = arith.constant 0 : i32
      %cond3A_216 = arith.cmpi ne, %convert_element_type3A_214, %cond3A_215 : i32
      scf.if %cond3A_216 {
        %dma_wait3A_301 = tpu.memref_slice %arg2[%add3A] : memref<320000xi32, #tpu.memory_space<hbm>> -> memref<80xi32, #tpu.memory_space<hbm>>
        %dma_wait3A_302 = tpu.memref_slice %arg2[%add3A] : memref<320000xi32, #tpu.memory_space<hbm>> -> memref<80xi32, #tpu.memory_space<hbm>>
        tpu.wait_dma2 semaphore(%arg32 : memref<!tpu.dma_semaphore, #tpu.memory_space<semaphore_mem>>) src(%dma_wait3A_302 : memref<80xi32, #tpu.memory_space<hbm>>) dst(%arg8 : memref<80xi32, #tpu.memory_space<vmem>>)
        %dma_wait3A_303 = tpu.memref_slice %arg3[%add3A] : memref<320000xi32, #tpu.memory_space<hbm>> -> memref<80xi32, #tpu.memory_space<hbm>>
        %dma_wait3A_304 = tpu.memref_slice %arg3[%add3A] : memref<320000xi32, #tpu.memory_space<hbm>> -> memref<80xi32, #tpu.memory_space<hbm>>
        tpu.wait_dma2 semaphore(%arg40 : memref<!tpu.dma_semaphore, #tpu.memory_space<semaphore_mem>>) src(%dma_wait3A_304 : memref<80xi32, #tpu.memory_space<hbm>>) dst(%arg16 : memref<80xi32, #tpu.memory_space<vmem>>)
        %dma_start3A_305 = arith.constant 0 : i32
        %dma_start3A_306 = arith.constant 0 : i32
        %dma_start3A_307 = tpu.memref_slice %arg4[%dma_start3A_305, %dma_start3A_306] : memref<10000x128xbf16, #tpu.memory_space<hbm>> -> memref<10000x128xbf16, #tpu.memory_space<hbm>>
        tpu.enqueue_indirect_dma source(%dma_start3A_307 : memref<10000x128xbf16, #tpu.memory_space<hbm>>) target(%arg24 : memref<80x128xbf16, #tpu.memory_space<vmem>>) offsets(%arg8 : memref<80xi32, #tpu.memory_space<vmem>>) semaphore(%arg48 : memref<!tpu.dma_semaphore, #tpu.memory_space<semaphore_mem>>)
      } else {
      }
      %add3A_217 = arith.constant 4 : i32
      %add3A_218 = arith.addi %mul3A_134, %add3A_217 : i32
      %dma_wait3A_219 = arith.constant 0 : i32
      %dma_wait3A_220 = arith.constant 0 : i32
      %dma_wait3A_221 = tpu.memref_slice %arg4[%dma_wait3A_219, %dma_wait3A_220] : memref<10000x128xbf16, #tpu.memory_space<hbm>> -> memref<10000x128xbf16, #tpu.memory_space<hbm>>
      tpu.wait_indirect_dma semaphore(%arg51 : memref<!tpu.dma_semaphore, #tpu.memory_space<semaphore_mem>>) src(%dma_wait3A_221 : memref<10000x128xbf16, #tpu.memory_space<hbm>>) dst(%arg27 : memref<80x128xbf16, #tpu.memory_space<vmem>>)
      "tpu.region"() ({
        %run_scoped3A = tpu.sem_alloc : memref<!tpu.dma_semaphore, #tpu.memory_space<semaphore_mem>>
        %dma_start3A_301 = arith.constant 0 : i32
        %dma_start3A_302 = arith.constant 0 : i32
        %dma_start3A_303 = tpu.memref_slice %arg6[%dma_start3A_301, %dma_start3A_302] : memref<10000x128xbf16, #tpu.memory_space<vmem_shared>> -> memref<10000x128xbf16, #tpu.memory_space<vmem_shared>>
        tpu.enqueue_indirect_dma source(%arg27 : memref<80x128xbf16, #tpu.memory_space<vmem>>) target(%dma_start3A_303 : memref<10000x128xbf16, #tpu.memory_space<vmem_shared>>) offsets(%arg19 : memref<80xi32, #tpu.memory_space<vmem>>) semaphore(%run_scoped3A : memref<!tpu.dma_semaphore, #tpu.memory_space<semaphore_mem>>) {add = true}
        %dma_wait3A_304 = arith.constant 0 : i32
        %dma_wait3A_305 = arith.constant 0 : i32
        %dma_wait3A_306 = tpu.memref_slice %arg6[%dma_wait3A_304, %dma_wait3A_305] : memref<10000x128xbf16, #tpu.memory_space<vmem_shared>> -> memref<10000x128xbf16, #tpu.memory_space<vmem_shared>>
        tpu.wait_indirect_dma semaphore(%run_scoped3A : memref<!tpu.dma_semaphore, #tpu.memory_space<semaphore_mem>>) src(%arg27 : memref<80x128xbf16, #tpu.memory_space<vmem>>) dst(%dma_wait3A_306 : memref<10000x128xbf16, #tpu.memory_space<vmem_shared>>)
        tpu.yield
      }) : () -> ()
      %add3A_222 = arith.constant 8 : i32
      %add3A_223 = arith.addi %add3A_218, %add3A_222 : i32
      %lt3A_224 = arith.constant 125 : i32
      %lt3A_225 = arith.cmpi slt, %add3A_223, %lt3A_224 : i32
      %convert_element_type3A_226 = arith.extui %lt3A_225 : i1 to i32
      %cond3A_227 = arith.constant 0 : i32
      %cond3A_228 = arith.cmpi ne, %convert_element_type3A_226, %cond3A_227 : i32
      scf.if %cond3A_228 {
        %add3A_301 = arith.constant 8 : i32
        %add3A_302 = arith.addi %add3A_218, %add3A_301 : i32
        %mul3A_303 = arith.constant 80 : i32
        %mul3A_304 = arith.muli %add3A_302, %mul3A_303 : i32
        %add3A_305 = arith.addi %add3A, %mul3A_304 : i32
        %dma_start3A_306 = tpu.memref_slice %arg2[%add3A_305] : memref<320000xi32, #tpu.memory_space<hbm>> -> memref<80xi32, #tpu.memory_space<hbm>>
        %dma_start3A_307 = tpu.memref_slice %arg2[%add3A_305] : memref<320000xi32, #tpu.memory_space<hbm>> -> memref<80xi32, #tpu.memory_space<hbm>>
        tpu.enqueue_dma source(%dma_start3A_307 : memref<80xi32, #tpu.memory_space<hbm>>) target(%arg11 : memref<80xi32, #tpu.memory_space<vmem>>) target_semaphore(%arg35 : memref<!tpu.dma_semaphore, #tpu.memory_space<semaphore_mem>>)
        %dma_start3A_308 = tpu.memref_slice %arg3[%add3A_305] : memref<320000xi32, #tpu.memory_space<hbm>> -> memref<80xi32, #tpu.memory_space<hbm>>
        %dma_start3A_309 = tpu.memref_slice %arg3[%add3A_305] : memref<320000xi32, #tpu.memory_space<hbm>> -> memref<80xi32, #tpu.memory_space<hbm>>
        tpu.enqueue_dma source(%dma_start3A_309 : memref<80xi32, #tpu.memory_space<hbm>>) target(%arg19 : memref<80xi32, #tpu.memory_space<vmem>>) target_semaphore(%arg43 : memref<!tpu.dma_semaphore, #tpu.memory_space<semaphore_mem>>)
      } else {
      }
      %add3A_229 = arith.constant 8 : i32
      %add3A_230 = arith.addi %add3A_218, %add3A_229 : i32
      %sub3A_231 = arith.constant 2 : i32
      %sub3A_232 = arith.subi %add3A_230, %sub3A_231 : i32
      %lt3A_233 = arith.constant 125 : i32
      %lt3A_234 = arith.cmpi slt, %sub3A_232, %lt3A_233 : i32
      %convert_element_type3A_235 = arith.extui %lt3A_234 : i1 to i32
      %cond3A_236 = arith.constant 0 : i32
      %cond3A_237 = arith.cmpi ne, %convert_element_type3A_235, %cond3A_236 : i32
      scf.if %cond3A_237 {
        %dma_wait3A_301 = tpu.memref_slice %arg2[%add3A] : memref<320000xi32, #tpu.memory_space<hbm>> -> memref<80xi32, #tpu.memory_space<hbm>>
        %dma_wait3A_302 = tpu.memref_slice %arg2[%add3A] : memref<320000xi32, #tpu.memory_space<hbm>> -> memref<80xi32, #tpu.memory_space<hbm>>
        tpu.wait_dma2 semaphore(%arg33 : memref<!tpu.dma_semaphore, #tpu.memory_space<semaphore_mem>>) src(%dma_wait3A_302 : memref<80xi32, #tpu.memory_space<hbm>>) dst(%arg9 : memref<80xi32, #tpu.memory_space<vmem>>)
        %dma_wait3A_303 = tpu.memref_slice %arg3[%add3A] : memref<320000xi32, #tpu.memory_space<hbm>> -> memref<80xi32, #tpu.memory_space<hbm>>
        %dma_wait3A_304 = tpu.memref_slice %arg3[%add3A] : memref<320000xi32, #tpu.memory_space<hbm>> -> memref<80xi32, #tpu.memory_space<hbm>>
        tpu.wait_dma2 semaphore(%arg41 : memref<!tpu.dma_semaphore, #tpu.memory_space<semaphore_mem>>) src(%dma_wait3A_304 : memref<80xi32, #tpu.memory_space<hbm>>) dst(%arg17 : memref<80xi32, #tpu.memory_space<vmem>>)
        %dma_start3A_305 = arith.constant 0 : i32
        %dma_start3A_306 = arith.constant 0 : i32
        %dma_start3A_307 = tpu.memref_slice %arg4[%dma_start3A_305, %dma_start3A_306] : memref<10000x128xbf16, #tpu.memory_space<hbm>> -> memref<10000x128xbf16, #tpu.memory_space<hbm>>
        tpu.enqueue_indirect_dma source(%dma_start3A_307 : memref<10000x128xbf16, #tpu.memory_space<hbm>>) target(%arg25 : memref<80x128xbf16, #tpu.memory_space<vmem>>) offsets(%arg9 : memref<80xi32, #tpu.memory_space<vmem>>) semaphore(%arg49 : memref<!tpu.dma_semaphore, #tpu.memory_space<semaphore_mem>>)
      } else {
      }
      %add3A_238 = arith.constant 5 : i32
      %add3A_239 = arith.addi %mul3A_134, %add3A_238 : i32
      %dma_wait3A_240 = arith.constant 0 : i32
      %dma_wait3A_241 = arith.constant 0 : i32
      %dma_wait3A_242 = tpu.memref_slice %arg4[%dma_wait3A_240, %dma_wait3A_241] : memref<10000x128xbf16, #tpu.memory_space<hbm>> -> memref<10000x128xbf16, #tpu.memory_space<hbm>>
      tpu.wait_indirect_dma semaphore(%arg52 : memref<!tpu.dma_semaphore, #tpu.memory_space<semaphore_mem>>) src(%dma_wait3A_242 : memref<10000x128xbf16, #tpu.memory_space<hbm>>) dst(%arg28 : memref<80x128xbf16, #tpu.memory_space<vmem>>)
      "tpu.region"() ({
        %run_scoped3A = tpu.sem_alloc : memref<!tpu.dma_semaphore, #tpu.memory_space<semaphore_mem>>
        %dma_start3A_301 = arith.constant 0 : i32
        %dma_start3A_302 = arith.constant 0 : i32
        %dma_start3A_303 = tpu.memref_slice %arg6[%dma_start3A_301, %dma_start3A_302] : memref<10000x128xbf16, #tpu.memory_space<vmem_shared>> -> memref<10000x128xbf16, #tpu.memory_space<vmem_shared>>
        tpu.enqueue_indirect_dma source(%arg28 : memref<80x128xbf16, #tpu.memory_space<vmem>>) target(%dma_start3A_303 : memref<10000x128xbf16, #tpu.memory_space<vmem_shared>>) offsets(%arg20 : memref<80xi32, #tpu.memory_space<vmem>>) semaphore(%run_scoped3A : memref<!tpu.dma_semaphore, #tpu.memory_space<semaphore_mem>>) {add = true}
        %dma_wait3A_304 = arith.constant 0 : i32
        %dma_wait3A_305 = arith.constant 0 : i32
        %dma_wait3A_306 = tpu.memref_slice %arg6[%dma_wait3A_304, %dma_wait3A_305] : memref<10000x128xbf16, #tpu.memory_space<vmem_shared>> -> memref<10000x128xbf16, #tpu.memory_space<vmem_shared>>
        tpu.wait_indirect_dma semaphore(%run_scoped3A : memref<!tpu.dma_semaphore, #tpu.memory_space<semaphore_mem>>) src(%arg28 : memref<80x128xbf16, #tpu.memory_space<vmem>>) dst(%dma_wait3A_306 : memref<10000x128xbf16, #tpu.memory_space<vmem_shared>>)
        tpu.yield
      }) : () -> ()
      %add3A_243 = arith.constant 8 : i32
      %add3A_244 = arith.addi %add3A_239, %add3A_243 : i32
      %lt3A_245 = arith.constant 125 : i32
      %lt3A_246 = arith.cmpi slt, %add3A_244, %lt3A_245 : i32
      %convert_element_type3A_247 = arith.extui %lt3A_246 : i1 to i32
      %cond3A_248 = arith.constant 0 : i32
      %cond3A_249 = arith.cmpi ne, %convert_element_type3A_247, %cond3A_248 : i32
      scf.if %cond3A_249 {
        %add3A_301 = arith.constant 8 : i32
        %add3A_302 = arith.addi %add3A_239, %add3A_301 : i32
        %mul3A_303 = arith.constant 80 : i32
        %mul3A_304 = arith.muli %add3A_302, %mul3A_303 : i32
        %add3A_305 = arith.addi %add3A, %mul3A_304 : i32
        %dma_start3A_306 = tpu.memref_slice %arg2[%add3A_305] : memref<320000xi32, #tpu.memory_space<hbm>> -> memref<80xi32, #tpu.memory_space<hbm>>
        %dma_start3A_307 = tpu.memref_slice %arg2[%add3A_305] : memref<320000xi32, #tpu.memory_space<hbm>> -> memref<80xi32, #tpu.memory_space<hbm>>
        tpu.enqueue_dma source(%dma_start3A_307 : memref<80xi32, #tpu.memory_space<hbm>>) target(%arg12 : memref<80xi32, #tpu.memory_space<vmem>>) target_semaphore(%arg36 : memref<!tpu.dma_semaphore, #tpu.memory_space<semaphore_mem>>)
        %dma_start3A_308 = tpu.memref_slice %arg3[%add3A_305] : memref<320000xi32, #tpu.memory_space<hbm>> -> memref<80xi32, #tpu.memory_space<hbm>>
        %dma_start3A_309 = tpu.memref_slice %arg3[%add3A_305] : memref<320000xi32, #tpu.memory_space<hbm>> -> memref<80xi32, #tpu.memory_space<hbm>>
        tpu.enqueue_dma source(%dma_start3A_309 : memref<80xi32, #tpu.memory_space<hbm>>) target(%arg20 : memref<80xi32, #tpu.memory_space<vmem>>) target_semaphore(%arg44 : memref<!tpu.dma_semaphore, #tpu.memory_space<semaphore_mem>>)
      } else {
      }
      %add3A_250 = arith.constant 8 : i32
      %add3A_251 = arith.addi %add3A_239, %add3A_250 : i32
      %sub3A_252 = arith.constant 2 : i32
      %sub3A_253 = arith.subi %add3A_251, %sub3A_252 : i32
      %lt3A_254 = arith.constant 125 : i32
      %lt3A_255 = arith.cmpi slt, %sub3A_253, %lt3A_254 : i32
      %convert_element_type3A_256 = arith.extui %lt3A_255 : i1 to i32
      %cond3A_257 = arith.constant 0 : i32
      %cond3A_258 = arith.cmpi ne, %convert_element_type3A_256, %cond3A_257 : i32
      scf.if %cond3A_258 {
        %dma_wait3A_301 = tpu.memref_slice %arg2[%add3A] : memref<320000xi32, #tpu.memory_space<hbm>> -> memref<80xi32, #tpu.memory_space<hbm>>
        %dma_wait3A_302 = tpu.memref_slice %arg2[%add3A] : memref<320000xi32, #tpu.memory_space<hbm>> -> memref<80xi32, #tpu.memory_space<hbm>>
        tpu.wait_dma2 semaphore(%arg34 : memref<!tpu.dma_semaphore, #tpu.memory_space<semaphore_mem>>) src(%dma_wait3A_302 : memref<80xi32, #tpu.memory_space<hbm>>) dst(%arg10 : memref<80xi32, #tpu.memory_space<vmem>>)
        %dma_wait3A_303 = tpu.memref_slice %arg3[%add3A] : memref<320000xi32, #tpu.memory_space<hbm>> -> memref<80xi32, #tpu.memory_space<hbm>>
        %dma_wait3A_304 = tpu.memref_slice %arg3[%add3A] : memref<320000xi32, #tpu.memory_space<hbm>> -> memref<80xi32, #tpu.memory_space<hbm>>
        tpu.wait_dma2 semaphore(%arg42 : memref<!tpu.dma_semaphore, #tpu.memory_space<semaphore_mem>>) src(%dma_wait3A_304 : memref<80xi32, #tpu.memory_space<hbm>>) dst(%arg18 : memref<80xi32, #tpu.memory_space<vmem>>)
        %dma_start3A_305 = arith.constant 0 : i32
        %dma_start3A_306 = arith.constant 0 : i32
        %dma_start3A_307 = tpu.memref_slice %arg4[%dma_start3A_305, %dma_start3A_306] : memref<10000x128xbf16, #tpu.memory_space<hbm>> -> memref<10000x128xbf16, #tpu.memory_space<hbm>>
        tpu.enqueue_indirect_dma source(%dma_start3A_307 : memref<10000x128xbf16, #tpu.memory_space<hbm>>) target(%arg26 : memref<80x128xbf16, #tpu.memory_space<vmem>>) offsets(%arg10 : memref<80xi32, #tpu.memory_space<vmem>>) semaphore(%arg50 : memref<!tpu.dma_semaphore, #tpu.memory_space<semaphore_mem>>)
      } else {
      }
      %add3A_259 = arith.constant 6 : i32
      %add3A_260 = arith.addi %mul3A_134, %add3A_259 : i32
      %dma_wait3A_261 = arith.constant 0 : i32
      %dma_wait3A_262 = arith.constant 0 : i32
      %dma_wait3A_263 = tpu.memref_slice %arg4[%dma_wait3A_261, %dma_wait3A_262] : memref<10000x128xbf16, #tpu.memory_space<hbm>> -> memref<10000x128xbf16, #tpu.memory_space<hbm>>
      tpu.wait_indirect_dma semaphore(%arg53 : memref<!tpu.dma_semaphore, #tpu.memory_space<semaphore_mem>>) src(%dma_wait3A_263 : memref<10000x128xbf16, #tpu.memory_space<hbm>>) dst(%arg29 : memref<80x128xbf16, #tpu.memory_space<vmem>>)
      "tpu.region"() ({
        %run_scoped3A = tpu.sem_alloc : memref<!tpu.dma_semaphore, #tpu.memory_space<semaphore_mem>>
        %dma_start3A_301 = arith.constant 0 : i32
        %dma_start3A_302 = arith.constant 0 : i32
        %dma_start3A_303 = tpu.memref_slice %arg6[%dma_start3A_301, %dma_start3A_302] : memref<10000x128xbf16, #tpu.memory_space<vmem_shared>> -> memref<10000x128xbf16, #tpu.memory_space<vmem_shared>>
        tpu.enqueue_indirect_dma source(%arg29 : memref<80x128xbf16, #tpu.memory_space<vmem>>) target(%dma_start3A_303 : memref<10000x128xbf16, #tpu.memory_space<vmem_shared>>) offsets(%arg21 : memref<80xi32, #tpu.memory_space<vmem>>) semaphore(%run_scoped3A : memref<!tpu.dma_semaphore, #tpu.memory_space<semaphore_mem>>) {add = true}
        %dma_wait3A_304 = arith.constant 0 : i32
        %dma_wait3A_305 = arith.constant 0 : i32
        %dma_wait3A_306 = tpu.memref_slice %arg6[%dma_wait3A_304, %dma_wait3A_305] : memref<10000x128xbf16, #tpu.memory_space<vmem_shared>> -> memref<10000x128xbf16, #tpu.memory_space<vmem_shared>>
        tpu.wait_indirect_dma semaphore(%run_scoped3A : memref<!tpu.dma_semaphore, #tpu.memory_space<semaphore_mem>>) src(%arg29 : memref<80x128xbf16, #tpu.memory_space<vmem>>) dst(%dma_wait3A_306 : memref<10000x128xbf16, #tpu.memory_space<vmem_shared>>)
        tpu.yield
      }) : () -> ()
      %add3A_264 = arith.constant 8 : i32
      %add3A_265 = arith.addi %add3A_260, %add3A_264 : i32
      %lt3A_266 = arith.constant 125 : i32
      %lt3A_267 = arith.cmpi slt, %add3A_265, %lt3A_266 : i32
      %convert_element_type3A_268 = arith.extui %lt3A_267 : i1 to i32
      %cond3A_269 = arith.constant 0 : i32
      %cond3A_270 = arith.cmpi ne, %convert_element_type3A_268, %cond3A_269 : i32
      scf.if %cond3A_270 {
        %add3A_301 = arith.constant 8 : i32
        %add3A_302 = arith.addi %add3A_260, %add3A_301 : i32
        %mul3A_303 = arith.constant 80 : i32
        %mul3A_304 = arith.muli %add3A_302, %mul3A_303 : i32
        %add3A_305 = arith.addi %add3A, %mul3A_304 : i32
        %dma_start3A_306 = tpu.memref_slice %arg2[%add3A_305] : memref<320000xi32, #tpu.memory_space<hbm>> -> memref<80xi32, #tpu.memory_space<hbm>>
        %dma_start3A_307 = tpu.memref_slice %arg2[%add3A_305] : memref<320000xi32, #tpu.memory_space<hbm>> -> memref<80xi32, #tpu.memory_space<hbm>>
        tpu.enqueue_dma source(%dma_start3A_307 : memref<80xi32, #tpu.memory_space<hbm>>) target(%arg13 : memref<80xi32, #tpu.memory_space<vmem>>) target_semaphore(%arg37 : memref<!tpu.dma_semaphore, #tpu.memory_space<semaphore_mem>>)
        %dma_start3A_308 = tpu.memref_slice %arg3[%add3A_305] : memref<320000xi32, #tpu.memory_space<hbm>> -> memref<80xi32, #tpu.memory_space<hbm>>
        %dma_start3A_309 = tpu.memref_slice %arg3[%add3A_305] : memref<320000xi32, #tpu.memory_space<hbm>> -> memref<80xi32, #tpu.memory_space<hbm>>
        tpu.enqueue_dma source(%dma_start3A_309 : memref<80xi32, #tpu.memory_space<hbm>>) target(%arg21 : memref<80xi32, #tpu.memory_space<vmem>>) target_semaphore(%arg45 : memref<!tpu.dma_semaphore, #tpu.memory_space<semaphore_mem>>)
      } else {
      }
      %add3A_271 = arith.constant 8 : i32
      %add3A_272 = arith.addi %add3A_260, %add3A_271 : i32
      %sub3A_273 = arith.constant 2 : i32
      %sub3A_274 = arith.subi %add3A_272, %sub3A_273 : i32
      %lt3A_275 = arith.constant 125 : i32
      %lt3A_276 = arith.cmpi slt, %sub3A_274, %lt3A_275 : i32
      %convert_element_type3A_277 = arith.extui %lt3A_276 : i1 to i32
      %cond3A_278 = arith.constant 0 : i32
      %cond3A_279 = arith.cmpi ne, %convert_element_type3A_277, %cond3A_278 : i32
      scf.if %cond3A_279 {
        %dma_wait3A_301 = tpu.memref_slice %arg2[%add3A] : memref<320000xi32, #tpu.memory_space<hbm>> -> memref<80xi32, #tpu.memory_space<hbm>>
        %dma_wait3A_302 = tpu.memref_slice %arg2[%add3A] : memref<320000xi32, #tpu.memory_space<hbm>> -> memref<80xi32, #tpu.memory_space<hbm>>
        tpu.wait_dma2 semaphore(%arg35 : memref<!tpu.dma_semaphore, #tpu.memory_space<semaphore_mem>>) src(%dma_wait3A_302 : memref<80xi32, #tpu.memory_space<hbm>>) dst(%arg11 : memref<80xi32, #tpu.memory_space<vmem>>)
        %dma_wait3A_303 = tpu.memref_slice %arg3[%add3A] : memref<320000xi32, #tpu.memory_space<hbm>> -> memref<80xi32, #tpu.memory_space<hbm>>
        %dma_wait3A_304 = tpu.memref_slice %arg3[%add3A] : memref<320000xi32, #tpu.memory_space<hbm>> -> memref<80xi32, #tpu.memory_space<hbm>>
        tpu.wait_dma2 semaphore(%arg43 : memref<!tpu.dma_semaphore, #tpu.memory_space<semaphore_mem>>) src(%dma_wait3A_304 : memref<80xi32, #tpu.memory_space<hbm>>) dst(%arg19 : memref<80xi32, #tpu.memory_space<vmem>>)
        %dma_start3A_305 = arith.constant 0 : i32
        %dma_start3A_306 = arith.constant 0 : i32
        %dma_start3A_307 = tpu.memref_slice %arg4[%dma_start3A_305, %dma_start3A_306] : memref<10000x128xbf16, #tpu.memory_space<hbm>> -> memref<10000x128xbf16, #tpu.memory_space<hbm>>
        tpu.enqueue_indirect_dma source(%dma_start3A_307 : memref<10000x128xbf16, #tpu.memory_space<hbm>>) target(%arg27 : memref<80x128xbf16, #tpu.memory_space<vmem>>) offsets(%arg11 : memref<80xi32, #tpu.memory_space<vmem>>) semaphore(%arg51 : memref<!tpu.dma_semaphore, #tpu.memory_space<semaphore_mem>>)
      } else {
      }
      %add3A_280 = arith.constant 7 : i32
      %add3A_281 = arith.addi %mul3A_134, %add3A_280 : i32
      %dma_wait3A_282 = arith.constant 0 : i32
      %dma_wait3A_283 = arith.constant 0 : i32
      %dma_wait3A_284 = tpu.memref_slice %arg4[%dma_wait3A_282, %dma_wait3A_283] : memref<10000x128xbf16, #tpu.memory_space<hbm>> -> memref<10000x128xbf16, #tpu.memory_space<hbm>>
      tpu.wait_indirect_dma semaphore(%arg54 : memref<!tpu.dma_semaphore, #tpu.memory_space<semaphore_mem>>) src(%dma_wait3A_284 : memref<10000x128xbf16, #tpu.memory_space<hbm>>) dst(%arg30 : memref<80x128xbf16, #tpu.memory_space<vmem>>)
      "tpu.region"() ({
        %run_scoped3A = tpu.sem_alloc : memref<!tpu.dma_semaphore, #tpu.memory_space<semaphore_mem>>
        %dma_start3A_301 = arith.constant 0 : i32
        %dma_start3A_302 = arith.constant 0 : i32
        %dma_start3A_303 = tpu.memref_slice %arg6[%dma_start3A_301, %dma_start3A_302] : memref<10000x128xbf16, #tpu.memory_space<vmem_shared>> -> memref<10000x128xbf16, #tpu.memory_space<vmem_shared>>
        tpu.enqueue_indirect_dma source(%arg30 : memref<80x128xbf16, #tpu.memory_space<vmem>>) target(%dma_start3A_303 : memref<10000x128xbf16, #tpu.memory_space<vmem_shared>>) offsets(%arg22 : memref<80xi32, #tpu.memory_space<vmem>>) semaphore(%run_scoped3A : memref<!tpu.dma_semaphore, #tpu.memory_space<semaphore_mem>>) {add = true}
        %dma_wait3A_304 = arith.constant 0 : i32
        %dma_wait3A_305 = arith.constant 0 : i32
        %dma_wait3A_306 = tpu.memref_slice %arg6[%dma_wait3A_304, %dma_wait3A_305] : memref<10000x128xbf16, #tpu.memory_space<vmem_shared>> -> memref<10000x128xbf16, #tpu.memory_space<vmem_shared>>
        tpu.wait_indirect_dma semaphore(%run_scoped3A : memref<!tpu.dma_semaphore, #tpu.memory_space<semaphore_mem>>) src(%arg30 : memref<80x128xbf16, #tpu.memory_space<vmem>>) dst(%dma_wait3A_306 : memref<10000x128xbf16, #tpu.memory_space<vmem_shared>>)
        tpu.yield
      }) : () -> ()
      %add3A_285 = arith.constant 8 : i32
      %add3A_286 = arith.addi %add3A_281, %add3A_285 : i32
      %lt3A_287 = arith.constant 125 : i32
      %lt3A_288 = arith.cmpi slt, %add3A_286, %lt3A_287 : i32
      %convert_element_type3A_289 = arith.extui %lt3A_288 : i1 to i32
      %cond3A_290 = arith.constant 0 : i32
      %cond3A_291 = arith.cmpi ne, %convert_element_type3A_289, %cond3A_290 : i32
      scf.if %cond3A_291 {
        %add3A_301 = arith.constant 8 : i32
        %add3A_302 = arith.addi %add3A_281, %add3A_301 : i32
        %mul3A_303 = arith.constant 80 : i32
        %mul3A_304 = arith.muli %add3A_302, %mul3A_303 : i32
        %add3A_305 = arith.addi %add3A, %mul3A_304 : i32
        %dma_start3A_306 = tpu.memref_slice %arg2[%add3A_305] : memref<320000xi32, #tpu.memory_space<hbm>> -> memref<80xi32, #tpu.memory_space<hbm>>
        %dma_start3A_307 = tpu.memref_slice %arg2[%add3A_305] : memref<320000xi32, #tpu.memory_space<hbm>> -> memref<80xi32, #tpu.memory_space<hbm>>
        tpu.enqueue_dma source(%dma_start3A_307 : memref<80xi32, #tpu.memory_space<hbm>>) target(%arg14 : memref<80xi32, #tpu.memory_space<vmem>>) target_semaphore(%arg38 : memref<!tpu.dma_semaphore, #tpu.memory_space<semaphore_mem>>)
        %dma_start3A_308 = tpu.memref_slice %arg3[%add3A_305] : memref<320000xi32, #tpu.memory_space<hbm>> -> memref<80xi32, #tpu.memory_space<hbm>>
        %dma_start3A_309 = tpu.memref_slice %arg3[%add3A_305] : memref<320000xi32, #tpu.memory_space<hbm>> -> memref<80xi32, #tpu.memory_space<hbm>>
        tpu.enqueue_dma source(%dma_start3A_309 : memref<80xi32, #tpu.memory_space<hbm>>) target(%arg22 : memref<80xi32, #tpu.memory_space<vmem>>) target_semaphore(%arg46 : memref<!tpu.dma_semaphore, #tpu.memory_space<semaphore_mem>>)
      } else {
      }
      %add3A_292 = arith.constant 8 : i32
      %add3A_293 = arith.addi %add3A_281, %add3A_292 : i32
      %sub3A_294 = arith.constant 2 : i32
      %sub3A_295 = arith.subi %add3A_293, %sub3A_294 : i32
      %lt3A_296 = arith.constant 125 : i32
      %lt3A_297 = arith.cmpi slt, %sub3A_295, %lt3A_296 : i32
      %convert_element_type3A_298 = arith.extui %lt3A_297 : i1 to i32
      %cond3A_299 = arith.constant 0 : i32
      %cond3A_300 = arith.cmpi ne, %convert_element_type3A_298, %cond3A_299 : i32
      scf.if %cond3A_300 {
        %dma_wait3A_301 = tpu.memref_slice %arg2[%add3A] : memref<320000xi32, #tpu.memory_space<hbm>> -> memref<80xi32, #tpu.memory_space<hbm>>
        %dma_wait3A_302 = tpu.memref_slice %arg2[%add3A] : memref<320000xi32, #tpu.memory_space<hbm>> -> memref<80xi32, #tpu.memory_space<hbm>>
        tpu.wait_dma2 semaphore(%arg36 : memref<!tpu.dma_semaphore, #tpu.memory_space<semaphore_mem>>) src(%dma_wait3A_302 : memref<80xi32, #tpu.memory_space<hbm>>) dst(%arg12 : memref<80xi32, #tpu.memory_space<vmem>>)
        %dma_wait3A_303 = tpu.memref_slice %arg3[%add3A] : memref<320000xi32, #tpu.memory_space<hbm>> -> memref<80xi32, #tpu.memory_space<hbm>>
        %dma_wait3A_304 = tpu.memref_slice %arg3[%add3A] : memref<320000xi32, #tpu.memory_space<hbm>> -> memref<80xi32, #tpu.memory_space<hbm>>
        tpu.wait_dma2 semaphore(%arg44 : memref<!tpu.dma_semaphore, #tpu.memory_space<semaphore_mem>>) src(%dma_wait3A_304 : memref<80xi32, #tpu.memory_space<hbm>>) dst(%arg20 : memref<80xi32, #tpu.memory_space<vmem>>)
        %dma_start3A_305 = arith.constant 0 : i32
        %dma_start3A_306 = arith.constant 0 : i32
        %dma_start3A_307 = tpu.memref_slice %arg4[%dma_start3A_305, %dma_start3A_306] : memref<10000x128xbf16, #tpu.memory_space<hbm>> -> memref<10000x128xbf16, #tpu.memory_space<hbm>>
        tpu.enqueue_indirect_dma source(%dma_start3A_307 : memref<10000x128xbf16, #tpu.memory_space<hbm>>) target(%arg28 : memref<80x128xbf16, #tpu.memory_space<vmem>>) offsets(%arg12 : memref<80xi32, #tpu.memory_space<vmem>>) semaphore(%arg52 : memref<!tpu.dma_semaphore, #tpu.memory_space<semaphore_mem>>)
      } else {
      }
    }
    %scan3A_103 = arith.constant 15 : i32
    %dma_wait3A_104 = arith.constant 0 : i32
    %dma_wait3A_105 = arith.constant 0 : i32
    %dma_wait3A_106 = tpu.memref_slice %arg4[%dma_wait3A_104, %dma_wait3A_105] : memref<10000x128xbf16, #tpu.memory_space<hbm>> -> memref<10000x128xbf16, #tpu.memory_space<hbm>>
    tpu.wait_indirect_dma semaphore(%arg47 : memref<!tpu.dma_semaphore, #tpu.memory_space<semaphore_mem>>) src(%dma_wait3A_106 : memref<10000x128xbf16, #tpu.memory_space<hbm>>) dst(%arg23 : memref<80x128xbf16, #tpu.memory_space<vmem>>)
    "tpu.region"() ({
      %run_scoped3A = tpu.sem_alloc : memref<!tpu.dma_semaphore, #tpu.memory_space<semaphore_mem>>
      %dma_start3A_132 = arith.constant 0 : i32
      %dma_start3A_133 = arith.constant 0 : i32
      %dma_start3A_134 = tpu.memref_slice %arg6[%dma_start3A_132, %dma_start3A_133] : memref<10000x128xbf16, #tpu.memory_space<vmem_shared>> -> memref<10000x128xbf16, #tpu.memory_space<vmem_shared>>
      tpu.enqueue_indirect_dma source(%arg23 : memref<80x128xbf16, #tpu.memory_space<vmem>>) target(%dma_start3A_134 : memref<10000x128xbf16, #tpu.memory_space<vmem_shared>>) offsets(%arg15 : memref<80xi32, #tpu.memory_space<vmem>>) semaphore(%run_scoped3A : memref<!tpu.dma_semaphore, #tpu.memory_space<semaphore_mem>>) {add = true}
      %dma_wait3A_135 = arith.constant 0 : i32
      %dma_wait3A_136 = arith.constant 0 : i32
      %dma_wait3A_137 = tpu.memref_slice %arg6[%dma_wait3A_135, %dma_wait3A_136] : memref<10000x128xbf16, #tpu.memory_space<vmem_shared>> -> memref<10000x128xbf16, #tpu.memory_space<vmem_shared>>
      tpu.wait_indirect_dma semaphore(%run_scoped3A : memref<!tpu.dma_semaphore, #tpu.memory_space<semaphore_mem>>) src(%arg23 : memref<80x128xbf16, #tpu.memory_space<vmem>>) dst(%dma_wait3A_137 : memref<10000x128xbf16, #tpu.memory_space<vmem_shared>>)
      tpu.yield
    }) : () -> ()
    %dma_wait3A_107 = arith.constant 0 : i32
    %dma_wait3A_108 = arith.constant 0 : i32
    %dma_wait3A_109 = tpu.memref_slice %arg4[%dma_wait3A_107, %dma_wait3A_108] : memref<10000x128xbf16, #tpu.memory_space<hbm>> -> memref<10000x128xbf16, #tpu.memory_space<hbm>>
    tpu.wait_indirect_dma semaphore(%arg48 : memref<!tpu.dma_semaphore, #tpu.memory_space<semaphore_mem>>) src(%dma_wait3A_109 : memref<10000x128xbf16, #tpu.memory_space<hbm>>) dst(%arg24 : memref<80x128xbf16, #tpu.memory_space<vmem>>)
    "tpu.region"() ({
      %run_scoped3A = tpu.sem_alloc : memref<!tpu.dma_semaphore, #tpu.memory_space<semaphore_mem>>
      %dma_start3A_132 = arith.constant 0 : i32
      %dma_start3A_133 = arith.constant 0 : i32
      %dma_start3A_134 = tpu.memref_slice %arg6[%dma_start3A_132, %dma_start3A_133] : memref<10000x128xbf16, #tpu.memory_space<vmem_shared>> -> memref<10000x128xbf16, #tpu.memory_space<vmem_shared>>
      tpu.enqueue_indirect_dma source(%arg24 : memref<80x128xbf16, #tpu.memory_space<vmem>>) target(%dma_start3A_134 : memref<10000x128xbf16, #tpu.memory_space<vmem_shared>>) offsets(%arg16 : memref<80xi32, #tpu.memory_space<vmem>>) semaphore(%run_scoped3A : memref<!tpu.dma_semaphore, #tpu.memory_space<semaphore_mem>>) {add = true}
      %dma_wait3A_135 = arith.constant 0 : i32
      %dma_wait3A_136 = arith.constant 0 : i32
      %dma_wait3A_137 = tpu.memref_slice %arg6[%dma_wait3A_135, %dma_wait3A_136] : memref<10000x128xbf16, #tpu.memory_space<vmem_shared>> -> memref<10000x128xbf16, #tpu.memory_space<vmem_shared>>
      tpu.wait_indirect_dma semaphore(%run_scoped3A : memref<!tpu.dma_semaphore, #tpu.memory_space<semaphore_mem>>) src(%arg24 : memref<80x128xbf16, #tpu.memory_space<vmem>>) dst(%dma_wait3A_137 : memref<10000x128xbf16, #tpu.memory_space<vmem_shared>>)
      tpu.yield
    }) : () -> ()
    %dma_wait3A_110 = arith.constant 0 : i32
    %dma_wait3A_111 = arith.constant 0 : i32
    %dma_wait3A_112 = tpu.memref_slice %arg4[%dma_wait3A_110, %dma_wait3A_111] : memref<10000x128xbf16, #tpu.memory_space<hbm>> -> memref<10000x128xbf16, #tpu.memory_space<hbm>>
    tpu.wait_indirect_dma semaphore(%arg49 : memref<!tpu.dma_semaphore, #tpu.memory_space<semaphore_mem>>) src(%dma_wait3A_112 : memref<10000x128xbf16, #tpu.memory_space<hbm>>) dst(%arg25 : memref<80x128xbf16, #tpu.memory_space<vmem>>)
    "tpu.region"() ({
      %run_scoped3A = tpu.sem_alloc : memref<!tpu.dma_semaphore, #tpu.memory_space<semaphore_mem>>
      %dma_start3A_132 = arith.constant 0 : i32
      %dma_start3A_133 = arith.constant 0 : i32
      %dma_start3A_134 = tpu.memref_slice %arg6[%dma_start3A_132, %dma_start3A_133] : memref<10000x128xbf16, #tpu.memory_space<vmem_shared>> -> memref<10000x128xbf16, #tpu.memory_space<vmem_shared>>
      tpu.enqueue_indirect_dma source(%arg25 : memref<80x128xbf16, #tpu.memory_space<vmem>>) target(%dma_start3A_134 : memref<10000x128xbf16, #tpu.memory_space<vmem_shared>>) offsets(%arg17 : memref<80xi32, #tpu.memory_space<vmem>>) semaphore(%run_scoped3A : memref<!tpu.dma_semaphore, #tpu.memory_space<semaphore_mem>>) {add = true}
      %dma_wait3A_135 = arith.constant 0 : i32
      %dma_wait3A_136 = arith.constant 0 : i32
      %dma_wait3A_137 = tpu.memref_slice %arg6[%dma_wait3A_135, %dma_wait3A_136] : memref<10000x128xbf16, #tpu.memory_space<vmem_shared>> -> memref<10000x128xbf16, #tpu.memory_space<vmem_shared>>
      tpu.wait_indirect_dma semaphore(%run_scoped3A : memref<!tpu.dma_semaphore, #tpu.memory_space<semaphore_mem>>) src(%arg25 : memref<80x128xbf16, #tpu.memory_space<vmem>>) dst(%dma_wait3A_137 : memref<10000x128xbf16, #tpu.memory_space<vmem_shared>>)
      tpu.yield
    }) : () -> ()
    %dma_wait3A_113 = arith.constant 0 : i32
    %dma_wait3A_114 = arith.constant 0 : i32
    %dma_wait3A_115 = tpu.memref_slice %arg4[%dma_wait3A_113, %dma_wait3A_114] : memref<10000x128xbf16, #tpu.memory_space<hbm>> -> memref<10000x128xbf16, #tpu.memory_space<hbm>>
    tpu.wait_indirect_dma semaphore(%arg50 : memref<!tpu.dma_semaphore, #tpu.memory_space<semaphore_mem>>) src(%dma_wait3A_115 : memref<10000x128xbf16, #tpu.memory_space<hbm>>) dst(%arg26 : memref<80x128xbf16, #tpu.memory_space<vmem>>)
    "tpu.region"() ({
      %run_scoped3A = tpu.sem_alloc : memref<!tpu.dma_semaphore, #tpu.memory_space<semaphore_mem>>
      %dma_start3A_132 = arith.constant 0 : i32
      %dma_start3A_133 = arith.constant 0 : i32
      %dma_start3A_134 = tpu.memref_slice %arg6[%dma_start3A_132, %dma_start3A_133] : memref<10000x128xbf16, #tpu.memory_space<vmem_shared>> -> memref<10000x128xbf16, #tpu.memory_space<vmem_shared>>
      tpu.enqueue_indirect_dma source(%arg26 : memref<80x128xbf16, #tpu.memory_space<vmem>>) target(%dma_start3A_134 : memref<10000x128xbf16, #tpu.memory_space<vmem_shared>>) offsets(%arg18 : memref<80xi32, #tpu.memory_space<vmem>>) semaphore(%run_scoped3A : memref<!tpu.dma_semaphore, #tpu.memory_space<semaphore_mem>>) {add = true}
      %dma_wait3A_135 = arith.constant 0 : i32
      %dma_wait3A_136 = arith.constant 0 : i32
      %dma_wait3A_137 = tpu.memref_slice %arg6[%dma_wait3A_135, %dma_wait3A_136] : memref<10000x128xbf16, #tpu.memory_space<vmem_shared>> -> memref<10000x128xbf16, #tpu.memory_space<vmem_shared>>
      tpu.wait_indirect_dma semaphore(%run_scoped3A : memref<!tpu.dma_semaphore, #tpu.memory_space<semaphore_mem>>) src(%arg26 : memref<80x128xbf16, #tpu.memory_space<vmem>>) dst(%dma_wait3A_137 : memref<10000x128xbf16, #tpu.memory_space<vmem_shared>>)
      tpu.yield
    }) : () -> ()
    %dma_wait3A_116 = arith.constant 0 : i32
    %dma_wait3A_117 = arith.constant 0 : i32
    %dma_wait3A_118 = tpu.memref_slice %arg4[%dma_wait3A_116, %dma_wait3A_117] : memref<10000x128xbf16, #tpu.memory_space<hbm>> -> memref<10000x128xbf16, #tpu.memory_space<hbm>>
    tpu.wait_indirect_dma semaphore(%arg51 : memref<!tpu.dma_semaphore, #tpu.memory_space<semaphore_mem>>) src(%dma_wait3A_118 : memref<10000x128xbf16, #tpu.memory_space<hbm>>) dst(%arg27 : memref<80x128xbf16, #tpu.memory_space<vmem>>)
    "tpu.region"() ({
      %run_scoped3A = tpu.sem_alloc : memref<!tpu.dma_semaphore, #tpu.memory_space<semaphore_mem>>
      %dma_start3A_132 = arith.constant 0 : i32
      %dma_start3A_133 = arith.constant 0 : i32
      %dma_start3A_134 = tpu.memref_slice %arg6[%dma_start3A_132, %dma_start3A_133] : memref<10000x128xbf16, #tpu.memory_space<vmem_shared>> -> memref<10000x128xbf16, #tpu.memory_space<vmem_shared>>
      tpu.enqueue_indirect_dma source(%arg27 : memref<80x128xbf16, #tpu.memory_space<vmem>>) target(%dma_start3A_134 : memref<10000x128xbf16, #tpu.memory_space<vmem_shared>>) offsets(%arg19 : memref<80xi32, #tpu.memory_space<vmem>>) semaphore(%run_scoped3A : memref<!tpu.dma_semaphore, #tpu.memory_space<semaphore_mem>>) {add = true}
      %dma_wait3A_135 = arith.constant 0 : i32
      %dma_wait3A_136 = arith.constant 0 : i32
      %dma_wait3A_137 = tpu.memref_slice %arg6[%dma_wait3A_135, %dma_wait3A_136] : memref<10000x128xbf16, #tpu.memory_space<vmem_shared>> -> memref<10000x128xbf16, #tpu.memory_space<vmem_shared>>
      tpu.wait_indirect_dma semaphore(%run_scoped3A : memref<!tpu.dma_semaphore, #tpu.memory_space<semaphore_mem>>) src(%arg27 : memref<80x128xbf16, #tpu.memory_space<vmem>>) dst(%dma_wait3A_137 : memref<10000x128xbf16, #tpu.memory_space<vmem_shared>>)
      tpu.yield
    }) : () -> ()
    %barrier3A_119 = arith.constant 0 : index
    tpu.barrier barrier_id(%barrier3A_119)
    %mul3A_120 = arith.constant 640 : i32
    %mul3A_121 = arith.muli %arg1, %mul3A_120 : i32
    %eq3A_122 = arith.constant 15 : i32
    %eq3A_123 = arith.cmpi eq, %arg1, %eq3A_122 : i32
    %convert_element_type3A_124 = arith.extui %eq3A_123 : i1 to i32
    %cond3A_125 = arith.constant 0 : i32
    %cond3A_126 = arith.cmpi ne, %convert_element_type3A_124, %cond3A_125 : i32
    scf.if %cond3A_126 {
      "tpu.region"() ({
        %run_scoped3A = tpu.sem_alloc : memref<!tpu.dma_semaphore, #tpu.memory_space<semaphore_mem>>
        %dma_start3A_132 = arith.constant 0 : i32
        %dma_start3A_133 = arith.constant 0 : i32
        %dma_start3A_134 = tpu.memref_slice %arg5[%arg0, %dma_start3A_132, %dma_start3A_133] : memref<2x10000x128xbf16, #tpu.memory_space<hbm>> -> memref<1x10000x128xbf16, #tpu.memory_space<hbm>>
        %dma_start3A_135 = tpu.memref_squeeze %dma_start3A_134 : memref<1x10000x128xbf16, #tpu.memory_space<hbm>> -> memref<10000x128xbf16, #tpu.memory_space<hbm>>
        %dma_start3A_136 = arith.constant 0 : i32
        %dma_start3A_137 = tpu.memref_slice %dma_start3A_135[%mul3A_121, %dma_start3A_136] : memref<10000x128xbf16, #tpu.memory_space<hbm>> -> memref<400x128xbf16, #tpu.memory_space<hbm>>
        %dma_start3A_138 = arith.constant 0 : i32
        %dma_start3A_139 = tpu.memref_slice %arg6[%mul3A_121, %dma_start3A_138] : memref<10000x128xbf16, #tpu.memory_space<vmem_shared>> -> memref<400x128xbf16, #tpu.memory_space<vmem_shared>>
        tpu.enqueue_dma source(%dma_start3A_139 : memref<400x128xbf16, #tpu.memory_space<vmem_shared>>) target(%dma_start3A_137 : memref<400x128xbf16, #tpu.memory_space<hbm>>) target_semaphore(%run_scoped3A : memref<!tpu.dma_semaphore, #tpu.memory_space<semaphore_mem>>)
        %dma_wait3A_140 = arith.constant 0 : i32
        %dma_wait3A_141 = arith.constant 0 : i32
        %dma_wait3A_142 = tpu.memref_slice %arg5[%arg0, %dma_wait3A_140, %dma_wait3A_141] : memref<2x10000x128xbf16, #tpu.memory_space<hbm>> -> memref<1x10000x128xbf16, #tpu.memory_space<hbm>>
        %dma_wait3A_143 = tpu.memref_squeeze %dma_wait3A_142 : memref<1x10000x128xbf16, #tpu.memory_space<hbm>> -> memref<10000x128xbf16, #tpu.memory_space<hbm>>
        %dma_wait3A_144 = arith.constant 0 : i32
        %dma_wait3A_145 = tpu.memref_slice %dma_wait3A_143[%mul3A_121, %dma_wait3A_144] : memref<10000x128xbf16, #tpu.memory_space<hbm>> -> memref<400x128xbf16, #tpu.memory_space<hbm>>
        %dma_wait3A_146 = arith.constant 0 : i32
        %dma_wait3A_147 = tpu.memref_slice %arg6[%mul3A_121, %dma_wait3A_146] : memref<10000x128xbf16, #tpu.memory_space<vmem_shared>> -> memref<400x128xbf16, #tpu.memory_space<vmem_shared>>
        tpu.wait_dma2 semaphore(%run_scoped3A : memref<!tpu.dma_semaphore, #tpu.memory_space<semaphore_mem>>) src(%dma_wait3A_147 : memref<400x128xbf16, #tpu.memory_space<vmem_shared>>) dst(%dma_wait3A_145 : memref<400x128xbf16, #tpu.memory_space<hbm>>)
        tpu.yield
      }) : () -> ()
    } else {
    }
    %ne3A_127 = arith.constant 15 : i32
    %ne3A_128 = arith.cmpi ne, %arg1, %ne3A_127 : i32
    %convert_element_type3A_129 = arith.extui %ne3A_128 : i1 to i32
    %cond3A_130 = arith.constant 0 : i32
    %cond3A_131 = arith.cmpi ne, %convert_element_type3A_129, %cond3A_130 : i32
    scf.if %cond3A_131 {
      "tpu.region"() ({
        %run_scoped3A = tpu.sem_alloc : memref<!tpu.dma_semaphore, #tpu.memory_space<semaphore_mem>>
        %dma_start3A_132 = arith.constant 0 : i32
        %dma_start3A_133 = arith.constant 0 : i32
        %dma_start3A_134 = tpu.memref_slice %arg5[%arg0, %dma_start3A_132, %dma_start3A_133] : memref<2x10000x128xbf16, #tpu.memory_space<hbm>> -> memref<1x10000x128xbf16, #tpu.memory_space<hbm>>
        %dma_start3A_135 = tpu.memref_squeeze %dma_start3A_134 : memref<1x10000x128xbf16, #tpu.memory_space<hbm>> -> memref<10000x128xbf16, #tpu.memory_space<hbm>>
        %dma_start3A_136 = arith.constant 0 : i32
        %dma_start3A_137 = tpu.memref_slice %dma_start3A_135[%mul3A_121, %dma_start3A_136] : memref<10000x128xbf16, #tpu.memory_space<hbm>> -> memref<640x128xbf16, #tpu.memory_space<hbm>>
        %dma_start3A_138 = arith.constant 0 : i32
        %dma_start3A_139 = tpu.memref_slice %arg6[%mul3A_121, %dma_start3A_138] : memref<10000x128xbf16, #tpu.memory_space<vmem_shared>> -> memref<640x128xbf16, #tpu.memory_space<vmem_shared>>
        tpu.enqueue_dma source(%dma_start3A_139 : memref<640x128xbf16, #tpu.memory_space<vmem_shared>>) target(%dma_start3A_137 : memref<640x128xbf16, #tpu.memory_space<hbm>>) target_semaphore(%run_scoped3A : memref<!tpu.dma_semaphore, #tpu.memory_space<semaphore_mem>>)
        %dma_wait3A_140 = arith.constant 0 : i32
        %dma_wait3A_141 = arith.constant 0 : i32
        %dma_wait3A_142 = tpu.memref_slice %arg5[%arg0, %dma_wait3A_140, %dma_wait3A_141] : memref<2x10000x128xbf16, #tpu.memory_space<hbm>> -> memref<1x10000x128xbf16, #tpu.memory_space<hbm>>
        %dma_wait3A_143 = tpu.memref_squeeze %dma_wait3A_142 : memref<1x10000x128xbf16, #tpu.memory_space<hbm>> -> memref<10000x128xbf16, #tpu.memory_space<hbm>>
        %dma_wait3A_144 = arith.constant 0 : i32
        %dma_wait3A_145 = tpu.memref_slice %dma_wait3A_143[%mul3A_121, %dma_wait3A_144] : memref<10000x128xbf16, #tpu.memory_space<hbm>> -> memref<640x128xbf16, #tpu.memory_space<hbm>>
        %dma_wait3A_146 = arith.constant 0 : i32
        %dma_wait3A_147 = tpu.memref_slice %arg6[%mul3A_121, %dma_wait3A_146] : memref<10000x128xbf16, #tpu.memory_space<vmem_shared>> -> memref<640x128xbf16, #tpu.memory_space<vmem_shared>>
        tpu.wait_dma2 semaphore(%run_scoped3A : memref<!tpu.dma_semaphore, #tpu.memory_space<semaphore_mem>>) src(%dma_wait3A_147 : memref<640x128xbf16, #tpu.memory_space<vmem_shared>>) dst(%dma_wait3A_145 : memref<640x128xbf16, #tpu.memory_space<hbm>>)
        tpu.yield
      }) : () -> ()
    } else {
    }
    return
  }
}

module attributes {stable_mosaic.version = 14 : i64} {
  func.func @_dense_body(%arg0: i32, %arg1: memref<1000x128xf32, #tpu.memory_space<vmem>>, %arg2: memref<128x128xf32, #tpu.memory_space<vmem>>, %arg3: memref<2x1000x16xf32, #tpu.memory_space<vmem>>, %arg4: memref<1000x128xbf16, #tpu.memory_space<vmem>>, %arg5: memref<1000x1xf32, #tpu.memory_space<vmem>>) attributes {dimension_semantics = [#tpu.dimension_semantics<arbitrary>], iteration_bounds = array<i64: 10>, scalar_prefetch = 0 : i64, scratch_operands = 0 : i64, tpu.core_type = #tpu.core_type<tc>, window_params = [{transform_indices = @transform_0, window_bounds = array<i64: 1000, 128>}, {pipeline_mode = #tpu.pipeline_mode<synchronous>, transform_indices = @transform_1, window_bounds = array<i64: 128, 128>}, {transform_indices = @transform_2, window_bounds = array<i64: 2, 1000, 16>}, {transform_indices = @transform_3, window_bounds = array<i64: 1000, 128>}, {transform_indices = @transform_4, window_bounds = array<i64: 1000, 1>}]} {
    %get3A = arith.constant 0 : index
    %get3A_0 = arith.constant 0 : index
    %get3A_1 = arith.constant 0 : index
    %get3A_2 = vector.load %arg3[%get3A, %get3A_0, %get3A_1] : memref<2x1000x16xf32, #tpu.memory_space<vmem>>, vector<1x1000x16xf32>
    %get3A_3 = vector.shape_cast %get3A_2 : vector<1x1000x16xf32> to vector<1000x16xf32>
    %slice3A = vector.extract_strided_slice %get3A_3 {offsets = [0, 0], sizes = [1000, 1], strides = [1, 1]} : vector<1000x16xf32> to vector<1000x1xf32>
    %get3A_4 = arith.constant 1 : index
    %get3A_5 = arith.constant 0 : index
    %get3A_6 = arith.constant 0 : index
    %get3A_7 = vector.load %arg3[%get3A_4, %get3A_5, %get3A_6] : memref<2x1000x16xf32, #tpu.memory_space<vmem>>, vector<1x1000x16xf32>
    %get3A_8 = vector.shape_cast %get3A_7 : vector<1x1000x16xf32> to vector<1000x16xf32>
    %slice3A_9 = vector.extract_strided_slice %get3A_8 {offsets = [0, 0], sizes = [1000, 1], strides = [1, 1]} : vector<1000x16xf32> to vector<1000x1xf32>
    %add3A = arith.addf %slice3A, %slice3A_9 : vector<1000x1xf32>
    %add3A_10 = arith.constant 1.000000e+00 : f32
    %add3A_11 = vector.broadcast %add3A_10 : f32 to vector<1000x1xf32>
    %add3A_12 = arith.addf %add3A, %add3A_11 : vector<1000x1xf32>
    %rsqrt3A = math.rsqrt %add3A_12 : vector<1000x1xf32>
    %get3A_13 = arith.constant 0 : index
    %get3A_14 = arith.constant 0 : index
    %get3A_15 = vector.load %arg1[%get3A_13, %get3A_14] : memref<1000x128xf32, #tpu.memory_space<vmem>>, vector<1000x128xf32>
    %get3A_16 = arith.constant 0 : index
    %get3A_17 = arith.constant 0 : index
    %get3A_18 = vector.load %arg2[%get3A_16, %get3A_17] : memref<128x128xf32, #tpu.memory_space<vmem>>, vector<128x128xf32>
    %dot_general3A = arith.constant dense<0.000000e+00> : vector<1000x128xf32>
    %dot_general3A_19 = tpu.matmul %get3A_15, %get3A_18, %dot_general3A {dimension_numbers = #tpu.dot_dimension_numbers<[1], [0], [0], [1], [0, 0, 1, 1], [], []>, transpose_lhs_hint = false} : vector<1000x128xf32>, vector<128x128xf32>, vector<1000x128xf32> -> vector<1000x128xf32>
    %mul3A = vector.broadcast %rsqrt3A : vector<1000x1xf32> to vector<1000x128xf32>
    %mul3A_20 = arith.mulf %mul3A, %dot_general3A_19 : vector<1000x128xf32>
    %convert_element_type3A = arith.truncf %mul3A_20 : vector<1000x128xf32> to vector<1000x128xbf16>
    %swap3A = arith.constant 0 : index
    %swap3A_21 = arith.constant 0 : index
    %swap3A_22 = vector.load %arg4[%swap3A, %swap3A_21] : memref<1000x128xbf16, #tpu.memory_space<vmem>>, vector<1000x128xbf16>
    tpu.vector_store %arg4[%swap3A, %swap3A_21], %convert_element_type3A {strides = array<i32>} : memref<1000x128xbf16, #tpu.memory_space<vmem>>, vector<1000x128xbf16>,
    %swap3A_23 = arith.constant 0 : index
    %swap3A_24 = arith.constant 0 : index
    %swap3A_25 = vector.load %arg5[%swap3A_23, %swap3A_24] : memref<1000x1xf32, #tpu.memory_space<vmem>>, vector<1000x1xf32>
    tpu.vector_store %arg5[%swap3A_23, %swap3A_24], %rsqrt3A {strides = array<i32>} : memref<1000x1xf32, #tpu.memory_space<vmem>>, vector<1000x1xf32>,
    return
  }
  func.func @transform_0(%arg0: i32) -> (i32, i32) {
    %c0_i32 = arith.constant 0 : i32
    %c0_i32_0 = arith.constant 0 : i32
    return %arg0, %c0_i32 : i32, i32
  }
  func.func @transform_1(%arg0: i32) -> (i32, i32) {
    %c0_i32 = arith.constant 0 : i32
    %c0_i32_0 = arith.constant 0 : i32
    %c0_i32_1 = arith.constant 0 : i32
    return %c0_i32, %c0_i32_0 : i32, i32
  }
  func.func @transform_2(%arg0: i32) -> (i32, i32, i32) {
    %c0_i32 = arith.constant 0 : i32
    %c0_i32_0 = arith.constant 0 : i32
    %c0_i32_1 = arith.constant 0 : i32
    return %c0_i32, %arg0, %c0_i32_0 : i32, i32, i32
  }
  func.func @transform_3(%arg0: i32) -> (i32, i32) {
    %c0_i32 = arith.constant 0 : i32
    %c0_i32_0 = arith.constant 0 : i32
    return %arg0, %c0_i32 : i32, i32
  }
  func.func @transform_4(%arg0: i32) -> (i32, i32) {
    %c0_i32 = arith.constant 0 : i32
    %c0_i32_0 = arith.constant 0 : i32
    return %arg0, %c0_i32 : i32, i32
  }
}

module attributes {stable_mosaic.version = 14 : i64} {
  func.func @_final_body(%arg0: i32, %arg1: memref<2x1000x128xbf16, #tpu.memory_space<vmem>>, %arg2: memref<1000x128xbf16, #tpu.memory_space<vmem>>, %arg3: memref<1000x1xf32, #tpu.memory_space<vmem>>, %arg4: memref<1000x128xf32, #tpu.memory_space<vmem>>, %arg5: memref<128x128xf32, #tpu.memory_space<vmem>>, %arg6: memref<1x128xf32, #tpu.memory_space<vmem>>, %arg7: memref<1x128xf32, #tpu.memory_space<vmem>>, %arg8: memref<1000x128xf32, #tpu.memory_space<vmem>>) attributes {dimension_semantics = [#tpu.dimension_semantics<arbitrary>], iteration_bounds = array<i64: 10>, scalar_prefetch = 0 : i64, scratch_operands = 0 : i64, tpu.core_type = #tpu.core_type<tc>, window_params = [{transform_indices = @transform_0, window_bounds = array<i64: 2, 1000, 128>}, {transform_indices = @transform_1, window_bounds = array<i64: 1000, 128>}, {transform_indices = @transform_2, window_bounds = array<i64: 1000, 1>}, {transform_indices = @transform_3, window_bounds = array<i64: 1000, 128>}, {pipeline_mode = #tpu.pipeline_mode<synchronous>, transform_indices = @transform_4, window_bounds = array<i64: 128, 128>}, {pipeline_mode = #tpu.pipeline_mode<synchronous>, transform_indices = @transform_5, window_bounds = array<i64: 1, 128>}, {pipeline_mode = #tpu.pipeline_mode<synchronous>, transform_indices = @transform_6, window_bounds = array<i64: 1, 128>}, {transform_indices = @transform_7, window_bounds = array<i64: 1000, 128>}]} {
    %get3A = arith.constant 0 : index
    %get3A_0 = arith.constant 0 : index
    %get3A_1 = arith.constant 0 : index
    %get3A_2 = vector.load %arg1[%get3A, %get3A_0, %get3A_1] : memref<2x1000x128xbf16, #tpu.memory_space<vmem>>, vector<1x1000x128xbf16>
    %get3A_3 = vector.shape_cast %get3A_2 : vector<1x1000x128xbf16> to vector<1000x128xbf16>
    %convert_element_type3A = arith.extf %get3A_3 : vector<1000x128xbf16> to vector<1000x128xf32>
    %get3A_4 = arith.constant 1 : index
    %get3A_5 = arith.constant 0 : index
    %get3A_6 = arith.constant 0 : index
    %get3A_7 = vector.load %arg1[%get3A_4, %get3A_5, %get3A_6] : memref<2x1000x128xbf16, #tpu.memory_space<vmem>>, vector<1x1000x128xbf16>
    %get3A_8 = vector.shape_cast %get3A_7 : vector<1x1000x128xbf16> to vector<1000x128xbf16>
    %convert_element_type3A_9 = arith.extf %get3A_8 : vector<1000x128xbf16> to vector<1000x128xf32>
    %add3A = arith.addf %convert_element_type3A, %convert_element_type3A_9 : vector<1000x128xf32>
    %get3A_10 = arith.constant 0 : index
    %get3A_11 = arith.constant 0 : index
    %get3A_12 = vector.load %arg2[%get3A_10, %get3A_11] : memref<1000x128xbf16, #tpu.memory_space<vmem>>, vector<1000x128xbf16>
    %convert_element_type3A_13 = arith.extf %get3A_12 : vector<1000x128xbf16> to vector<1000x128xf32>
    %sub3A = arith.subf %add3A, %convert_element_type3A_13 : vector<1000x128xf32>
    %get3A_14 = arith.constant 0 : index
    %get3A_15 = arith.constant 0 : index
    %get3A_16 = vector.load %arg4[%get3A_14, %get3A_15] : memref<1000x128xf32, #tpu.memory_space<vmem>>, vector<1000x128xf32>
    %get3A_17 = arith.constant 0 : index
    %get3A_18 = arith.constant 0 : index
    %get3A_19 = vector.load %arg5[%get3A_17, %get3A_18] : memref<128x128xf32, #tpu.memory_space<vmem>>, vector<128x128xf32>
    %dot_general3A = arith.constant dense<0.000000e+00> : vector<1000x128xf32>
    %dot_general3A_20 = tpu.matmul %get3A_16, %get3A_19, %dot_general3A {dimension_numbers = #tpu.dot_dimension_numbers<[1], [0], [0], [1], [0, 0, 1, 1], [], []>, transpose_lhs_hint = false} : vector<1000x128xf32>, vector<128x128xf32>, vector<1000x128xf32> -> vector<1000x128xf32>
    %get3A_21 = arith.constant 0 : index
    %get3A_22 = arith.constant 0 : index
    %get3A_23 = vector.load %arg7[%get3A_21, %get3A_22] : memref<1x128xf32, #tpu.memory_space<vmem>>, vector<1x128xf32>
    %add3A_24 = vector.broadcast %get3A_23 : vector<1x128xf32> to vector<1000x128xf32>
    %add3A_25 = arith.addf %dot_general3A_20, %add3A_24 : vector<1000x128xf32>
    %get3A_26 = arith.constant 0 : index
    %get3A_27 = arith.constant 0 : index
    %get3A_28 = vector.load %arg3[%get3A_26, %get3A_27] : memref<1000x1xf32, #tpu.memory_space<vmem>>, vector<1000x1xf32>
    %mul3A = vector.broadcast %get3A_28 : vector<1000x1xf32> to vector<1000x128xf32>
    %mul3A_29 = arith.mulf %mul3A, %sub3A : vector<1000x128xf32>
    %get3A_30 = arith.constant 0 : index
    %get3A_31 = arith.constant 0 : index
    %get3A_32 = vector.load %arg6[%get3A_30, %get3A_31] : memref<1x128xf32, #tpu.memory_space<vmem>>, vector<1x128xf32>
    %add3A_33 = vector.broadcast %get3A_32 : vector<1x128xf32> to vector<1000x128xf32>
    %add3A_34 = arith.addf %mul3A_29, %add3A_33 : vector<1000x128xf32>
    %max3A = arith.constant 0.000000e+00 : f32
    %max3A_35 = vector.broadcast %max3A : f32 to vector<1000x128xf32>
    %max3A_36 = arith.maximumf %add3A_34, %max3A_35 : vector<1000x128xf32>
    %add3A_37 = arith.addf %max3A_36, %add3A_25 : vector<1000x128xf32>
    %swap3A = arith.constant 0 : index
    %swap3A_38 = arith.constant 0 : index
    %swap3A_39 = vector.load %arg8[%swap3A, %swap3A_38] : memref<1000x128xf32, #tpu.memory_space<vmem>>, vector<1000x128xf32>
    tpu.vector_store %arg8[%swap3A, %swap3A_38], %add3A_37 {strides = array<i32>} : memref<1000x128xf32, #tpu.memory_space<vmem>>, vector<1000x128xf32>,
    return
  }
  func.func @transform_0(%arg0: i32) -> (i32, i32, i32) {
    %c0_i32 = arith.constant 0 : i32
    %c0_i32_0 = arith.constant 0 : i32
    %c0_i32_1 = arith.constant 0 : i32
    return %c0_i32, %arg0, %c0_i32_0 : i32, i32, i32
  }
  func.func @transform_1(%arg0: i32) -> (i32, i32) {
    %c0_i32 = arith.constant 0 : i32
    %c0_i32_0 = arith.constant 0 : i32
    return %arg0, %c0_i32 : i32, i32
  }
  func.func @transform_2(%arg0: i32) -> (i32, i32) {
    %c0_i32 = arith.constant 0 : i32
    %c0_i32_0 = arith.constant 0 : i32
    return %arg0, %c0_i32 : i32, i32
  }
  func.func @transform_3(%arg0: i32) -> (i32, i32) {
    %c0_i32 = arith.constant 0 : i32
    %c0_i32_0 = arith.constant 0 : i32
    return %arg0, %c0_i32 : i32, i32
  }
  func.func @transform_4(%arg0: i32) -> (i32, i32) {
    %c0_i32 = arith.constant 0 : i32
    %c0_i32_0 = arith.constant 0 : i32
    %c0_i32_1 = arith.constant 0 : i32
    return %c0_i32, %c0_i32_0 : i32, i32
  }
  func.func @transform_5(%arg0: i32) -> (i32, i32) {
    %c0_i32 = arith.constant 0 : i32
    %c0_i32_0 = arith.constant 0 : i32
    %c0_i32_1 = arith.constant 0 : i32
    return %c0_i32, %c0_i32_0 : i32, i32
  }
  func.func @transform_6(%arg0: i32) -> (i32, i32) {
    %c0_i32 = arith.constant 0 : i32
    %c0_i32_0 = arith.constant 0 : i32
    %c0_i32_1 = arith.constant 0 : i32
    return %c0_i32, %c0_i32_0 : i32, i32
  }
  func.func @transform_7(%arg0: i32) -> (i32, i32) {
    %c0_i32 = arith.constant 0 : i32
    %c0_i32_0 = arith.constant 0 : i32
    return %arg0, %c0_i32 : i32, i32
  }
}

</mosaic_0001>

<sc_bundles>
// kernel: kernel.6.cloned.1.call-start
scs
__scs_entry_jumppad:
0x0: {  	(pc) =	sbr.rel $0x88, $3  }
0x1: {  	(tag) =	ssettag $0x0;
	lr =	simm.s32 $0x1  }
0x2: {  	[smem:$0x3F9B] =	sst lr;
	_ =	strace $0xD0000000  }
0x3: {  	_ = 	snop  }
0x4: {  	_ = 	snop  }
0x5: {  	_ = 	snop  }
0x6: {  	_ = 	snop  }
0x7: {  	_ = 	snop  }
__scs_overlays_trampoline_lowered:
0x8: {  	[smem:$0x3FAA] =	sst s0  }
0x9: {  	[smem:$0x3FAB] =	sst s1  }
0xa: {  	[smem:$0x3FAC] =	sst s2  }
0xb: {  	[smem:$0x3FAD] =	sst s3  }
0xc: {  	[smem:$0x3FAE] =	sst s4  }
0xd: {  	[smem:$0x3FAF] =	sst s5  }
0xe: {  	[smem:$0x3FB0] =	sst s6  }
0xf: {  	[smem:$0x3FB1] =	sst s7  }
0x10: {  	[smem:$0x3FB2] =	sst s8  }
0x11: {  	[smem:$0x3FB3] =	sst s9;
	s0 =	simm.s32 @!p0 $0x0  }
0x12: {  	s1 =	sld [smem:$0x3F99];
	s0 =	simm.s32 @p0 $0x1  }
0x13: {  	[smem:$0x3FB4] =	sst s0;
	s0 =	simm.s32 @!p1 $0x0  }
0x14: {  	s2 =	sld [smem:$0x3F98];
	s0 =	simm.s32 @p1 $0x1  }
0x15: {  	[smem:$0x3FB5] =	sst s0;
	s0 =	simm.s32 @!p2 $0x0  }
0x16: {  	s3 =	sld [smem:$0x3FDB];
	s0 =	simm.s32 @p2 $0x1  }
0x17: {  	s4 =	simm.s32 $0x1BF5;
	[smem:$0x3FB7] =	sst s0  }
0x18: {  	s0 =	sld [smem:$0x3F9A];
	_ =	swait.ge [sflag:s4], $0x0  }
0x19: {  	s7 =	sld [smem:$0x3F9B]  }
0x1a: {  	s8 =	sadd.s32 $0xFFFFE003, lr  }
0x1b: {  	s9 =	sadd.s32 $0xFFFFFEF7, lr;
	s5 =	simm.s32 $0xFFFFFFFF;
	p2 =	slt.u32 s8, $0xFFFFF086  }
0x1c: {  	p1 =	slt.u32 s9, $0xF7A;
	s5 =	simm.s32 @!p2 $0x0  }
0x1d: {  	s5 =	simm.s32 @p1 $0x1;
	p0 =	seq.s32 s7, s2  }
0x1e: {  	s7 =	smul.u32 @!p0 $0xF7A, s2;
	p2 =	seq.s32 @!p0 s5, $0x0  }
0x1f: {  	s9 =	smul.u32 $0xF7A, s1;
	s8 =	simm.s32 @!p0 $0x1BF5;
	p2 =	por !p2, p0  }
0x20: {  	[sflag:s8] =	ssyncset.s32 @!p0 $0xFFFFF086;
	s6 =	sadd.s32 @!p0 s3, s7;
	s7 =	simm.s32 @!p0 $0x108  }
0x21: {  	s3 =	sadd.s32 s3, s9;
	s6 =	sadd.s32 @!p0 $0x88, s6;
	s7 =	simm.s32 @p2 $0x1082  }
0x22: {  	[simem:s7], [sflag:s8] =	dma.local @!p0 [hbm:s6], $0xF7A  }
0x23: {  	s9 =	sor.u32 $0xD0000000, s2;
	s6 =	simm.s32 $0x108;
	_ =	swait.ge @!p0 [sflag:s8], $0x0  }
0x24: {  	s3 =	sadd.s32 $0x88, s3;
	s6 =	simm.s32 @!p1 $0x1082;
	[sflag:s4] =	ssyncset.s32 $0xFFFFF086  }
0x25: {  	[simem:s6], [sflag:s4] =	dma.local [hbm:s3], $0xF7A  }
0x26: {  	[smem:$0x3F9B] =	sst s1;
	(tag) =	ssettag s2;
	_ =	strace s9  }
0x27: {  	s1 =	sld [smem:$0x3FAB]  }
0x28: {  	s2 =	sld [smem:$0x3FAC]  }
0x29: {  	s4 =	sld [smem:$0x3FAE]  }
0x2a: {  	p0 =	seq.s32 s5, $0x0;
	s5 =	sld [smem:$0x3FAF]  }
0x2b: {  	s6 =	sld [smem:$0x3FB0]  }
0x2c: {  	s7 =	sld [smem:$0x3FB1]  }
0x2d: {  	s3 =	simm.s32 $0x108;
	s8 =	sld [smem:$0x3FB2]  }
0x2e: {  	s3 =	simm.s32 @!p0 $0x1082;
	s9 =	sld [smem:$0x3FB3]  }
0x2f: {  	lr =	sadd.s32 s0, s3;
	s0 =	sld [smem:$0x3FAA]  }
0x30: {  	s3 =	sld [smem:$0x3FAD]  }
0x31: {  	[smem:$0x3FB6] =	sst s10  }
0x32: {  	s10 =	sld [smem:$0x3FB4];
	_ =	sdelay $0x3  }
0x33: {  	p0 =	seq.s32 s10, $0x1;
	s10 =	sld [smem:$0x3FB6];
	_ =	sdelay $0x3  }
0x34: {  	[smem:$0x3FB6] =	sst s10  }
0x35: {  	s10 =	sld [smem:$0x3FB5];
	_ =	sdelay $0x3  }
0x36: {  	p1 =	seq.s32 s10, $0x1;
	s10 =	sld [smem:$0x3FB6];
	_ =	sdelay $0x3  }
0x37: {  	[smem:$0x3FB6] =	sst s10  }
0x38: {  	s10 =	sld [smem:$0x3FB7]  }
0x39: {  	_ = 	snop;
	(pc) =	sbr.ind lr, $3  }
0x3a: {  	_ = 	snop  }
0x3b: {  	_ = 	snop  }
0x3c: {  	p2 =	seq.s32 s10, $0x1;
	s10 =	sld [smem:$0x3FB6]  }
0x3d: {  	_ =	shalt  }
0x3e: {  	_ =	shalt  }
0x3f: {  	_ =	shalt  }
0x40: {  	_ =	shalt  }
0x41: {  	_ =	shalt  }
0x42: {  	_ =	shalt  }
0x43: {  	_ =	shalt  }
0x44: {  	_ =	shalt  }
0x45: {  	_ =	shalt  }
0x46: {  	_ =	shalt  }
0x47: {  	_ =	shalt  }
0x48: {  	_ =	shalt  }
0x49: {  	_ =	shalt  }
0x4a: {  	_ =	shalt  }
0x4b: {  	_ =	shalt  }
0x4c: {  	_ =	shalt  }
0x4d: {  	_ =	shalt  }
0x4e: {  	_ =	shalt  }
0x4f: {  	_ =	shalt  }
0x50: {  	_ =	shalt  }
0x51: {  	_ =	shalt  }
0x52: {  	_ =	shalt  }
0x53: {  	_ =	shalt  }
0x54: {  	_ =	shalt  }
0x55: {  	_ =	shalt  }
0x56: {  	_ =	shalt  }
0x57: {  	_ =	shalt  }
0x58: {  	_ =	shalt  }
0x59: {  	_ =	shalt  }
0x5a: {  	_ =	shalt  }
0x5b: {  	_ =	shalt  }
0x5c: {  	_ =	shalt  }
0x5d: {  	_ =	shalt  }
0x5e: {  	_ =	shalt  }
0x5f: {  	_ =	shalt  }
0x60: {  	_ =	shalt  }
0x61: {  	_ =	shalt  }
0x62: {  	_ =	shalt  }
0x63: {  	_ =	shalt  }
0x64: {  	_ =	shalt  }
0x65: {  	_ =	shalt  }
0x66: {  	_ =	shalt  }
0x67: {  	_ =	shalt  }
0x68: {  	_ =	shalt  }
0x69: {  	_ =	shalt  }
0x6a: {  	_ =	shalt  }
0x6b: {  	_ =	shalt  }
0x6c: {  	_ =	shalt  }
0x6d: {  	_ =	shalt  }
0x6e: {  	_ =	shalt  }
0x6f: {  	_ =	shalt  }
0x70: {  	_ =	shalt  }
0x71: {  	_ =	shalt  }
0x72: {  	_ =	shalt  }
0x73: {  	_ =	shalt  }
0x74: {  	_ =	shalt  }
0x75: {  	_ =	shalt  }
0x76: {  	_ =	shalt  }
0x77: {  	_ =	shalt  }
0x78: {  	_ =	shalt  }
0x79: {  	_ =	shalt  }
0x7a: {  	_ =	shalt  }
0x7b: {  	_ =	shalt  }
0x7c: {  	_ =	shalt  }
0x7d: {  	_ =	shalt  }
0x7e: {  	_ =	shalt  }
0x7f: {  	_ =	shalt  }
0x80: {  	_ =	shalt  }
0x81: {  	_ =	shalt  }
0x82: {  	_ =	shalt  }
0x83: {  	_ =	shalt  }
0x84: {  	_ =	shalt  }
0x85: {  	_ =	shalt  }
0x86: {  	_ =	shalt  }
0x87: {  	_ =	shalt  }
.Lfunc_end0:
.L_simem_size_0:
called_computation_lowered:
.L_overlay_start_0:
0x88: {  	s2 =	sld [smem:$0x3FD9]  }
0x89: {  	s3 =	sld [smem:$0x3FFE];
	_ =	sdelay $0x1  }
0x8a: {  	s1 =	srdreg.scid  }
0x8b: {  	s0 =	sand.u32 $0x1, s1  }
0x8c: {  	s17 =	sshll.u32 s0, $0xA;
	s2 =	sadd.s32 s3, s2  }
0x8d: {  	s2 =	sadd.s32 s2, s17  }
0x8e: {  	[smem:$0x3FC2] =	sst s2  }
0x8f: {  	_ = 	snop  }
0x90: {  	s2 =	sld [smem:$0x3FD0];
	(tm) =	ssettm $0x1  }
0x91: {  	s18 =	sld [smem:$0x3FFB];
	_ =	sdelay $0x3  }
0x92: {  	_ =	strace s18  }
0x93: {  	s3 =	sld [smem:$0x3FFC];
	_ =	sdelay $0x3  }
0x94: {  	_ =	strace s3  }
0x95: {  	s3 =	sld [smem:$0x3FFD];
	_ =	sdelay $0x3  }
0x96: {  	_ =	strace s3  }
0x97: {  	_ =	strace $0x8FFFFFFF  }
0x98: {  	s19 =	sld [smem:$0x3FDB];
	_ =	sdelay $0x1  }
0x99: {  	s4 =	simm.s32 $_scs_section_size  }
0x9a: {  	s5 =	simm.s32 $_size__tile_overlayer_lowered;
	s6 =	simm.s32 $_tile_overlayer_lowered  }
0x9b: {  	s22 =	simm.s32 $0x1BFF;
	s21 =	sshll.u32 s6, $0x1;
	s3 =	sadd.s32 s4, s19  }
0x9c: {  	s7 =	simm.s32 $0x0;
	s20 =	sshll.u32 s5, $0x1;
	s5 =	sadd.s32 s21, s3  }
0x9d: {  	[timem:s7], [sflag:s22] =	dma.local [hbm:s5], s20  }
0x9e: {  	_ =	swait.ge [sflag:s22], s20  }
0x9f: {  	s4 =	ssub.s32 $0x0, s20;
	[sflag:s22] =	ssyncset.done $0x0  }
0xa0: {  	[sflag:s22] =	ssyncadd.s32 s4;
	_ =	sdelay $0x1  }
0xa1: {  	s23 =	simm.s32 $0x1B8B  }
0xa2: {  	_ =	swait.ge [sflag:s23], $0x1  }
0xa3: {  	[sflag:s23] =	ssyncset.done $0x0  }
0xa4: {  	s25 =	simm.s32 $0x1B8E;
	s24 =	sld [smem:$0x3FFE];
	[sflag:s23] =	ssyncadd.s32 $0xFFFFFFFF  }
0xa5: {  	s26 =	simm.s32 $execute0_lowered;
	[smem:$0x3FD2] =	sst s25  }
0xa6: {  	s5 =	sshll.u32 s26, $0x1;
	_ =	strace $0x80000046;
	[dreg:$0x1] =	wrdreg $0xFFFFFFFF  }
0xa7: {  	s28 =	simm.s32 $_size_execute0_lowered;
	s3 =	sadd.s32 s3, s5;
	[dreg:$0x0] =	wrdreg $0x0  }
0xa8: {  	s5 =	sshll.u32 s28, $0x1;
	[dreg:$0x2] =	wrdreg s3  }
0xa9: {  	[dreg:$0x3] =	wrdreg s5  }
0xaa: {  	[dreg:$0x4] =	wrdreg $0xC0  }
0xab: {  	_ =	task [dreg:s7], $0x5FFFF  }
0xac: {  	[dreg:$0x1] =	wrdreg $0xFFFFFFFF  }
0xad: {  	[dreg:$0x0] =	wrdreg $0x60  }
0xae: {  	[dreg:$0x2] =	wrdreg s24  }
0xaf: {  	[dreg:$0x3] =	wrdreg s2  }
0xb0: {  	[dreg:$0x4] =	wrdreg $0x0  }
0xb1: {  	[dreg:$0x5] =	wrdreg $0x9  }
0xb2: {  	_ =	task.clear_ibuf [dreg:s7], $0x6FFFF;
	_ =	strace $0x90000046  }
0xb3: {  	s29 =	simm.s32 $0x9;
	_ =	strace $0x80000048  }
0xb4: {  	_ =	swait.ge [sflag:s29], $0x1  }
0xb5: {  	[sflag:s29] =	ssyncadd.s32 $0xFFFFFFFF  }
0xb6: {  	_ =	strace $0x90000048  }
0xb7: {  	_ =	sfence  }
0xb8: {  	s30 =	sld [smem:$0x0];
	_ =	sdelay $0x2  }
0xb9: {  	s31 =	sshll.u32 s1, $0xD;
	s1 =	sshrl.u32 s1, $0x2  }
0xba: {  	s3 =	sand.u32 $0x4000, s31;
	s1 =	sadd.s32 s1, s30  }
0xbb: {  	s0 =	sor.u32 s3, s0;
	s1 =	sshll.u32 s1, $0x11  }
0xbc: {  	s0 =	sor.u32 s1, s0  }
0xbd: {  	s0 =	sadd.s32 $0x8F2B, s0  }
0xbe: {  	[sflag:s0] =	ssyncadd.remote.s32 $0x1  }
0xbf: {  	_ =	sfence.sel $0xFFFF  }
0xc0: {  	[dreg:$0x0] =	wrdreg $0xFFFFFFFF;
	(pc) =	sbr.abs _section_cstart, $3  }
0xc1: {  	[dreg:$0x1] =	wrdreg $0xFFFFFFFF  }
0xc2: {  	_ =	task.clear_ibuf [dreg:s7], $0x2FFFF;
	_ =	strace $0x9FFFFFFF  }
0xc3: {  	(tm) =	ssettm $0x7FFFFFFF  }
tec
execute0_lowered:
.L_overlay_start_1:
0x0: {  	(tag) =	ssettag $0x1  }
0x1: {  	s0 =	srdreg.scid  }
0x2: {  	s15 =	rddreg [dreg:$0x0];
	s25 =	sand.u32 $0x1, s0  }
0x3: {  	s0 =	stileid.u32;
	s28 =	smul.u32 $0x27100, s25  }
0x4: {  	s26 =	rddreg [dreg:$0x1];
	s4 =	smul.u32 $0x2710, s0  }
0x5: {  	s2 =	rddreg [dreg:$0x2]  }
0x6: {  	s1 =	rddreg [dreg:$0x3];
	s3 =	simm.s32 $0x0;
	s4 =	sadd.s32 s4, s28  }
0x7: {  	s6 =	simm.s32 $0x2710;
	s8 =	simm.s32 $0x2EE0;
	s4 =	sshrl.u32 s4, $0x3  }
0x8: {  	s9 =	simm.s32 $0x36B0;
	[smem:$0x7FF] =	sst s3;
	s24 =	sadd.s32 s4, s15  }
0x9: {  	s10 =	simm.s32 $0x3;
	_ =	strace $0x80000047;
	s5 =	sadd.s32 $0x1200, s24  }
0xa: {  	[tilespmem:s6], [sflag:$0x1] =	stream.linear.gather [hbm4b:s5+s3], $0x7D0, $0x38;
	[tilespmem:$0xB3B0] =	vst v63  }
0xb: {  	s11 =	smul.u32 $0x2800, s0;
	p0 =	sne.s32 s0, $0xF;
	s7 =	sadd.s32 $0x12FA, s24  }
0xc: {  	[tilespmem:s8], [sflag:$0x2] =	stream.linear.gather [hbm4b:s7+s3], $0x7D0, $0x38;
	[tilespmem:$0xB3B0] =	vst v63  }
0xd: {  	s14 =	sshll.u32 @p0 s0, $0x6;
	s29 =	sshrl.u32 s11, $0x3;
	s4 =	sadd.s32 $0x14E00, s15  }
0xe: {  	[tilespmem:s9], [sflag:$0x3] =	stream.linear.gather [hbm4b:s4+s3], $0x7D00, $0x38;
	[tilespmem:$0xB3B0] =	vst v63  }
0xf: {  	s13 =	sadd.s32 s11, s2;
	s12 =	sadd.s32 s29, s15;
	_ =	swait.ge [sflag:s10], $0x7D00  }
0x10: {  	s13 =	sshrl.u32 @p0 s13, $0x3;
	s11 =	sadd.s32 $0x15E00, s12;
	[sflag:s10] =	ssyncset.done $0x0  }
0x11: {  	s12 =	sor.u32 @p0 $0x1C03, s14;
	s14 =	simm.s32 @p0 $0x3;
	[sflag:s10] =	ssyncadd.s32 $0xFFFF8300  }
0x12: {  	[spmem:s13], [sflag:s12] =	dma.local @p0 [hbm:s11], $0x500  }
0x13: {  	s16 =	sadd.s32 $0x25800, s2;
	_ =	swait.ge @p0 [sflag:s14], $0x500  }
0x14: {  	s17 =	sshrl.u32 @!p0 s16, $0x3;
	s18 =	simm.s32 @!p0 $0x1FC3;
	[sflag:s14] =	ssyncset.done @p0 $0x0  }
0x15: {  	s16 =	simm.s32 @!p0 $0x3;
	s15 =	sadd.s32 $0x1A900, s15;
	[sflag:s14] =	ssyncadd.s32 @p0 $0xFFFFFB00  }
0x16: {  	[spmem:s17], [sflag:s18] =	dma.local @!p0 [hbm:s15], $0x320  }
0x17: {  	_ =	swait.ge @!p0 [sflag:s16], $0x320  }
0x18: {  	[sflag:s16] =	ssyncset.done @!p0 $0x0  }
0x19: {  	[sflag:s16] =	ssyncadd.s32 @!p0 $0xFFFFFCE0  }
0x1a: {  	s19 =	simm.s32 $0x1;
	[bflag:$0x0] =	sbarrier.arrive $0xFFFF  }
0x1b: {  	_ =	swait.ge [sflag:s19], $0x7D0  }
0x1c: {  	[sflag:s19] =	ssyncset.done $0x0  }
0x1d: {  	s20 =	simm.s32 $0x7D0;
	[sflag:s19] =	ssyncadd.s32 $0xFFFFF830  }
0x1e: {  	[spmem:s2] =	stream.indirect.scatter.add.f32 [tilespmem:s9], [sflag:$0x3], $0x10, s6, s20, $0xb8;
	[tilespmem:$0xB3B0] =	vst v63  }
0x1f: {  	_ =	swait.ge [sflag:s10], $0x7D00  }
0x20: {  	[sflag:s10] =	ssyncset.done $0x0  }
0x21: {  	s22 =	simm.s32 $0x2;
	s21 =	sadd.s32 $0x13F4, s24;
	[sflag:s10] =	ssyncadd.s32 $0xFFFF8300  }
0x22: {  	[tilespmem:s6], [sflag:$0x1] =	stream.linear.gather [hbm4b:s21+s3], $0x7D0, $0x38;
	[tilespmem:$0xB3B0] =	vst v63  }
0x23: {  	_ =	swait.ge [sflag:s22], $0x7D0  }
0x24: {  	[sflag:s22] =	ssyncset.done $0x0  }
0x25: {  	[sflag:s22] =	ssyncadd.s32 $0xFFFFF830  }
0x26: {  	[spmem:s2] =	stream.indirect.scatter.add.f32 [tilespmem:s9], [sflag:$0x3], $0x10, s8, s20, $0xb8;
	[tilespmem:$0xB3B0] =	vst v63  }
0x27: {  	_ =	swait.ge [sflag:s10], $0x7D00  }
0x28: {  	[sflag:s10] =	ssyncset.done $0x0  }
0x29: {  	s23 =	sadd.s32 $0x14EE, s24;
	[sflag:s10] =	ssyncadd.s32 $0xFFFF8300  }
0x2a: {  	[tilespmem:s8], [sflag:$0x2] =	stream.linear.gather [hbm4b:s23+s3], $0x7D0, $0x38;
	[tilespmem:$0xB3B0] =	vst v63  }
0x2b: {  	_ =	swait.ge [sflag:s19], $0x7D0  }
0x2c: {  	[sflag:s19] =	ssyncset.done $0x0  }
0x2d: {  	[sflag:s19] =	ssyncadd.s32 $0xFFFFF830  }
0x2e: {  	[spmem:s2] =	stream.indirect.scatter.add.f32 [tilespmem:s9], [sflag:$0x3], $0x10, s6, s20, $0xb8;
	[tilespmem:$0xB3B0] =	vst v63  }
0x2f: {  	_ =	swait.ge [sflag:s10], $0x7D00  }
0x30: {  	[sflag:s10] =	ssyncset.done $0x0  }
0x31: {  	s24 =	sadd.s32 $0x15E8, s24;
	[sflag:s10] =	ssyncadd.s32 $0xFFFF8300  }
0x32: {  	[tilespmem:s6], [sflag:$0x1] =	stream.linear.gather [hbm4b:s24+s3], $0x7D0, $0x38;
	[tilespmem:$0xB3B0] =	vst v63  }
0x33: {  	_ =	swait.ge [sflag:s22], $0x7D0  }
0x34: {  	[sflag:s22] =	ssyncset.done $0x0  }
0x35: {  	[sflag:s22] =	ssyncadd.s32 $0xFFFFF830  }
0x36: {  	[spmem:s2] =	stream.indirect.scatter.add.f32 [tilespmem:s9], [sflag:$0x3], $0x10, s8, s20, $0xb8;
	[tilespmem:$0xB3B0] =	vst v63  }
0x37: {  	_ =	swait.ge [sflag:s10], $0x7D00  }
0x38: {  	[sflag:s10] =	ssyncset.done $0x0  }
0x39: {  	[sflag:s10] =	ssyncadd.s32 $0xFFFF8300  }
0x3a: {  	_ =	swait.ge [sflag:s19], $0x7D0  }
0x3b: {  	[sflag:s19] =	ssyncset.done $0x0  }
0x3c: {  	s30 =	ssub.s32 $0x2, s25;
	[sflag:s19] =	ssyncadd.s32 $0xFFFFF830  }
0x3d: {  	[spmem:s2] =	stream.indirect.scatter.add.f32 [tilespmem:s9], [sflag:$0x3], $0x10, s6, s20, $0xb8;
	[tilespmem:$0xB3B0] =	vst v63  }
0x3e: {  	s31 =	sshrl.u32 s30, $0x1;
	s28 =	sshrl.u32 s28, $0x3;
	_ =	swait.ge [sflag:s10], $0x7D00  }
0x3f: {  	s28 =	sadd.s32 s26, s28;
	s26 =	ssub.s32 s30, s31;
	[sflag:s10] =	ssyncset.done $0x0  }
0x40: {  	s26 =	smax.u32 s26, $0x1;
	[sflag:s10] =	ssyncadd.s32 $0xFFFF8300  }
0x41: {  	s25 =	sadd.s32 @p0 s29, s28;
	s26 =	sadd.s32 $0xFFFFFFFF, s26;
	[bflag:$0x0] =	sbarrier.arrive $0xFFFF  }
0x42: {  	[hbm:s25], [sflag:s12] =	dma.local @p0 [spmem:s13], $0x500  }
0x43: {  	p1 =	sne.s32 s26, $0x0;
	_ =	swait.ge @p0 [sflag:s14], $0x500  }
.Ltmp0:
0x44: {  	[sflag:s14] =	ssyncset.done @p0 $0x0;
	(pc) =	sbr.rel @!p1 .LBB2_2-.Ltmp0, $4  }
0x45: {  	s28 =	sadd.s32 @!p0 $0x4B00, s28;
	[sflag:s14] =	ssyncadd.s32 @p0 $0xFFFFFB00  }
0x46: {  	[hbm:s28], [sflag:s18] =	dma.local @!p0 [spmem:s17], $0x320  }
0x47: {  	_ =	swait.ge @!p0 [sflag:s16], $0x320  }
0x48: {  	[sflag:s16] =	ssyncset.done @!p0 $0x0  }
.LBB2_1:
0x49: {  	s26 =	sadd.s32 $0xFFFFFFFF, s26;
	[sflag:s16] =	ssyncadd.s32 @!p0 $0xFFFFFCE0  }
0x4a: {  	[tilespmem:s6], [sflag:$0x1] =	stream.linear.gather [hbm4b:s5+s3], $0x7D0, $0x38;
	[tilespmem:$0xB3B0] =	vst v63  }
0x4b: {  	p1 =	sne.s32 s26, $0x0  }
0x4c: {  	[tilespmem:s8], [sflag:$0x2] =	stream.linear.gather [hbm4b:s7+s3], $0x7D0, $0x38;
	[tilespmem:$0xB3B0] =	vst v63  }
0x4d: {  	_ = 	snop  }
0x4e: {  	[tilespmem:s9], [sflag:$0x3] =	stream.linear.gather [hbm4b:s4+s3], $0x7D00, $0x38;
	[tilespmem:$0xB3B0] =	vst v63  }
0x4f: {  	_ =	swait.ge [sflag:s10], $0x7D00  }
0x50: {  	[sflag:s10] =	ssyncset.done $0x0  }
0x51: {  	[sflag:s10] =	ssyncadd.s32 $0xFFFF8300  }
0x52: {  	[spmem:s13], [sflag:s12] =	dma.local @p0 [hbm:s11], $0x500  }
0x53: {  	_ =	swait.ge @p0 [sflag:s14], $0x500  }
0x54: {  	[sflag:s14] =	ssyncset.done @p0 $0x0  }
0x55: {  	[sflag:s14] =	ssyncadd.s32 @p0 $0xFFFFFB00  }
0x56: {  	[spmem:s17], [sflag:s18] =	dma.local @!p0 [hbm:s15], $0x320  }
0x57: {  	_ =	swait.ge @!p0 [sflag:s16], $0x320  }
0x58: {  	[sflag:s16] =	ssyncset.done @!p0 $0x0  }
0x59: {  	[sflag:s16] =	ssyncadd.s32 @!p0 $0xFFFFFCE0  }
0x5a: {  	[bflag:$0x0] =	sbarrier.arrive $0xFFFF  }
0x5b: {  	_ =	swait.ge [sflag:s19], $0x7D0  }
0x5c: {  	[sflag:s19] =	ssyncset.done $0x0  }
0x5d: {  	[sflag:s19] =	ssyncadd.s32 $0xFFFFF830  }
0x5e: {  	[spmem:s2] =	stream.indirect.scatter.add.f32 [tilespmem:s9], [sflag:$0x3], $0x10, s6, s20, $0xb8;
	[tilespmem:$0xB3B0] =	vst v63  }
0x5f: {  	_ =	swait.ge [sflag:s10], $0x7D00  }
0x60: {  	[sflag:s10] =	ssyncset.done $0x0  }
0x61: {  	[sflag:s10] =	ssyncadd.s32 $0xFFFF8300  }
0x62: {  	[tilespmem:s6], [sflag:$0x1] =	stream.linear.gather [hbm4b:s21+s3], $0x7D0, $0x38;
	[tilespmem:$0xB3B0] =	vst v63  }
0x63: {  	_ =	swait.ge [sflag:s22], $0x7D0  }
0x64: {  	[sflag:s22] =	ssyncset.done $0x0  }
0x65: {  	[sflag:s22] =	ssyncadd.s32 $0xFFFFF830  }
0x66: {  	[spmem:s2] =	stream.indirect.scatter.add.f32 [tilespmem:s9], [sflag:$0x3], $0x10, s8, s20, $0xb8;
	[tilespmem:$0xB3B0] =	vst v63  }
0x67: {  	_ =	swait.ge [sflag:s10], $0x7D00  }
0x68: {  	[sflag:s10] =	ssyncset.done $0x0  }
0x69: {  	[sflag:s10] =	ssyncadd.s32 $0xFFFF8300  }
0x6a: {  	[tilespmem:s8], [sflag:$0x2] =	stream.linear.gather [hbm4b:s23+s3], $0x7D0, $0x38;
	[tilespmem:$0xB3B0] =	vst v63  }
0x6b: {  	_ =	swait.ge [sflag:s19], $0x7D0  }
0x6c: {  	[sflag:s19] =	ssyncset.done $0x0  }
0x6d: {  	[sflag:s19] =	ssyncadd.s32 $0xFFFFF830  }
0x6e: {  	[spmem:s2] =	stream.indirect.scatter.add.f32 [tilespmem:s9], [sflag:$0x3], $0x10, s6, s20, $0xb8;
	[tilespmem:$0xB3B0] =	vst v63  }
0x6f: {  	_ =	swait.ge [sflag:s10], $0x7D00  }
0x70: {  	[sflag:s10] =	ssyncset.done $0x0  }
0x71: {  	[sflag:s10] =	ssyncadd.s32 $0xFFFF8300  }
0x72: {  	[tilespmem:s6], [sflag:$0x1] =	stream.linear.gather [hbm4b:s24+s3], $0x7D0, $0x38;
	[tilespmem:$0xB3B0] =	vst v63  }
0x73: {  	_ =	swait.ge [sflag:s22], $0x7D0  }
0x74: {  	[sflag:s22] =	ssyncset.done $0x0  }
0x75: {  	[sflag:s22] =	ssyncadd.s32 $0xFFFFF830  }
0x76: {  	[spmem:s2] =	stream.indirect.scatter.add.f32 [tilespmem:s9], [sflag:$0x3], $0x10, s8, s20, $0xb8;
	[tilespmem:$0xB3B0] =	vst v63  }
0x77: {  	_ =	swait.ge [sflag:s10], $0x7D00  }
0x78: {  	[sflag:s10] =	ssyncset.done $0x0  }
0x79: {  	[sflag:s10] =	ssyncadd.s32 $0xFFFF8300  }
0x7a: {  	_ =	swait.ge [sflag:s19], $0x7D0  }
0x7b: {  	[sflag:s19] =	ssyncset.done $0x0  }
0x7c: {  	[sflag:s19] =	ssyncadd.s32 $0xFFFFF830  }
0x7d: {  	[spmem:s2] =	stream.indirect.scatter.add.f32 [tilespmem:s9], [sflag:$0x3], $0x10, s6, s20, $0xb8;
	[tilespmem:$0xB3B0] =	vst v63  }
0x7e: {  	_ =	swait.ge [sflag:s10], $0x7D00  }
0x7f: {  	[sflag:s10] =	ssyncset.done $0x0  }
0x80: {  	[sflag:s10] =	ssyncadd.s32 $0xFFFF8300  }
0x81: {  	[bflag:$0x0] =	sbarrier.arrive $0xFFFF  }
0x82: {  	[hbm:s25], [sflag:s12] =	dma.local @p0 [spmem:s13], $0x500  }
0x83: {  	_ =	swait.ge @p0 [sflag:s14], $0x500  }
.Ltmp1:
0x84: {  	[sflag:s14] =	ssyncset.done @p0 $0x0;
	(pc) =	sbr.rel @p1 .LBB2_1-.Ltmp1, $4  }
0x85: {  	[sflag:s14] =	ssyncadd.s32 @p0 $0xFFFFFB00  }
0x86: {  	[hbm:s28], [sflag:s18] =	dma.local @!p0 [spmem:s17], $0x320  }
0x87: {  	_ =	swait.ge @!p0 [sflag:s16], $0x320  }
0x88: {  	[sflag:s16] =	ssyncset.done @!p0 $0x0  }
.LBB2_2:
0x89: {  	[sflag:s16] =	ssyncadd.s32 @!p0 $0xFFFFFCE0  }
0x8a: {  	_ =	sfence.sel $0x180000  }
0x8b: {  	[bflag:$0x0] =	sbarrier.arrive $0xFFFF  }
0x8c: {  	p0 =	sne.s32 s0, $0x0;
	_ =	strace $0x90000047  }
0x8d: {  	s0 =	sadd.s32 @!p0 $0x100000, s1;
	[bflag:$0x2] =	sbarrier.arrive $0xFFFF  }
0x8e: {  	[sflag:s0] =	ssyncadd.tile.s32 @!p0 $0x1;
	_ =	shalt  }
.Lfunc_end2:
_tile_overlayer_lowered:
.L_overlay_start_2:
0x8f: {  	(tag) =	ssettag $0x2  }
0x90: {  	s0 =	rddreg [dreg:$0x0];
	s2 =	stileid.u32  }
0x91: {  	s1 =	rddreg [dreg:$0x1];
	p0 =	sne.s32 s2, $0x0  }
0x92: {  	s3 =	rddreg [dreg:$0x2];
	[bflag:$0x3] =	sbarrier.arrive $0xFFFF;
	s2 =	simm.s32 @!p0 $0x1C03  }
0x93: {  	[timem:s3], [sflag:s2] =	dma.local @!p0 [hbm:s0], s1  }
0x94: {  	s0 =	simm.s32 @!p0 $0x3  }
0x95: {  	_ =	swait.ge @!p0 [sflag:s0], s1  }
0x96: {  	s1 =	ssub.s32 @!p0 $0x0, s1;
	[sflag:s0] =	ssyncset.done @!p0 $0x0  }
0x97: {  	[sflag:s0] =	ssyncadd.s32 @!p0 s1  }
0x98: {  	[bflag:$0x3] =	sbarrier.arrive $0xFFFF  }
0x99: {  	_ =	shalt  }

// kernel: kernel.9.cloned.1.call-start
scs
__scs_entry_jumppad:
0x0: {  	(pc) =	sbr.rel $0x88, $3  }
0x1: {  	(tag) =	ssettag $0x0;
	lr =	simm.s32 $0x1  }
0x2: {  	[smem:$0x3F9B] =	sst lr;
	_ =	strace $0xD0000000  }
0x3: {  	_ = 	snop  }
0x4: {  	_ = 	snop  }
0x5: {  	_ = 	snop  }
0x6: {  	_ = 	snop  }
0x7: {  	_ = 	snop  }
__scs_overlays_trampoline_lowered:
0x8: {  	[smem:$0x3FAA] =	sst s0  }
0x9: {  	[smem:$0x3FAB] =	sst s1  }
0xa: {  	[smem:$0x3FAC] =	sst s2  }
0xb: {  	[smem:$0x3FAD] =	sst s3  }
0xc: {  	[smem:$0x3FAE] =	sst s4  }
0xd: {  	[smem:$0x3FAF] =	sst s5  }
0xe: {  	[smem:$0x3FB0] =	sst s6  }
0xf: {  	[smem:$0x3FB1] =	sst s7  }
0x10: {  	[smem:$0x3FB2] =	sst s8  }
0x11: {  	[smem:$0x3FB3] =	sst s9;
	s0 =	simm.s32 @!p0 $0x0  }
0x12: {  	s1 =	sld [smem:$0x3F99];
	s0 =	simm.s32 @p0 $0x1  }
0x13: {  	[smem:$0x3FB4] =	sst s0;
	s0 =	simm.s32 @!p1 $0x0  }
0x14: {  	s2 =	sld [smem:$0x3F98];
	s0 =	simm.s32 @p1 $0x1  }
0x15: {  	[smem:$0x3FB5] =	sst s0;
	s0 =	simm.s32 @!p2 $0x0  }
0x16: {  	s3 =	sld [smem:$0x3FDB];
	s0 =	simm.s32 @p2 $0x1  }
0x17: {  	s4 =	simm.s32 $0x1BF5;
	[smem:$0x3FB7] =	sst s0  }
0x18: {  	s0 =	sld [smem:$0x3F9A];
	_ =	swait.ge [sflag:s4], $0x0  }
0x19: {  	s7 =	sld [smem:$0x3F9B]  }
0x1a: {  	s8 =	sadd.s32 $0xFFFFE003, lr  }
0x1b: {  	s9 =	sadd.s32 $0xFFFFFEF7, lr;
	s5 =	simm.s32 $0xFFFFFFFF;
	p2 =	slt.u32 s8, $0xFFFFF086  }
0x1c: {  	p1 =	slt.u32 s9, $0xF7A;
	s5 =	simm.s32 @!p2 $0x0  }
0x1d: {  	s5 =	simm.s32 @p1 $0x1;
	p0 =	seq.s32 s7, s2  }
0x1e: {  	s7 =	smul.u32 @!p0 $0xF7A, s2;
	p2 =	seq.s32 @!p0 s5, $0x0  }
0x1f: {  	s9 =	smul.u32 $0xF7A, s1;
	s8 =	simm.s32 @!p0 $0x1BF5;
	p2 =	por !p2, p0  }
0x20: {  	[sflag:s8] =	ssyncset.s32 @!p0 $0xFFFFF086;
	s6 =	sadd.s32 @!p0 s3, s7;
	s7 =	simm.s32 @!p0 $0x108  }
0x21: {  	s3 =	sadd.s32 s3, s9;
	s6 =	sadd.s32 @!p0 $0x88, s6;
	s7 =	simm.s32 @p2 $0x1082  }
0x22: {  	[simem:s7], [sflag:s8] =	dma.local @!p0 [hbm:s6], $0xF7A  }
0x23: {  	s9 =	sor.u32 $0xD0000000, s2;
	s6 =	simm.s32 $0x108;
	_ =	swait.ge @!p0 [sflag:s8], $0x0  }
0x24: {  	s3 =	sadd.s32 $0x88, s3;
	s6 =	simm.s32 @!p1 $0x1082;
	[sflag:s4] =	ssyncset.s32 $0xFFFFF086  }
0x25: {  	[simem:s6], [sflag:s4] =	dma.local [hbm:s3], $0xF7A  }
0x26: {  	[smem:$0x3F9B] =	sst s1;
	(tag) =	ssettag s2;
	_ =	strace s9  }
0x27: {  	s1 =	sld [smem:$0x3FAB]  }
0x28: {  	s2 =	sld [smem:$0x3FAC]  }
0x29: {  	s4 =	sld [smem:$0x3FAE]  }
0x2a: {  	p0 =	seq.s32 s5, $0x0;
	s5 =	sld [smem:$0x3FAF]  }
0x2b: {  	s6 =	sld [smem:$0x3FB0]  }
0x2c: {  	s7 =	sld [smem:$0x3FB1]  }
0x2d: {  	s3 =	simm.s32 $0x108;
	s8 =	sld [smem:$0x3FB2]  }
0x2e: {  	s3 =	simm.s32 @!p0 $0x1082;
	s9 =	sld [smem:$0x3FB3]  }
0x2f: {  	lr =	sadd.s32 s0, s3;
	s0 =	sld [smem:$0x3FAA]  }
0x30: {  	s3 =	sld [smem:$0x3FAD]  }
0x31: {  	[smem:$0x3FB6] =	sst s10  }
0x32: {  	s10 =	sld [smem:$0x3FB4];
	_ =	sdelay $0x3  }
0x33: {  	p0 =	seq.s32 s10, $0x1;
	s10 =	sld [smem:$0x3FB6];
	_ =	sdelay $0x3  }
0x34: {  	[smem:$0x3FB6] =	sst s10  }
0x35: {  	s10 =	sld [smem:$0x3FB5];
	_ =	sdelay $0x3  }
0x36: {  	p1 =	seq.s32 s10, $0x1;
	s10 =	sld [smem:$0x3FB6];
	_ =	sdelay $0x3  }
0x37: {  	[smem:$0x3FB6] =	sst s10  }
0x38: {  	s10 =	sld [smem:$0x3FB7]  }
0x39: {  	_ = 	snop;
	(pc) =	sbr.ind lr, $3  }
0x3a: {  	_ = 	snop  }
0x3b: {  	_ = 	snop  }
0x3c: {  	p2 =	seq.s32 s10, $0x1;
	s10 =	sld [smem:$0x3FB6]  }
0x3d: {  	_ =	shalt  }
0x3e: {  	_ =	shalt  }
0x3f: {  	_ =	shalt  }
0x40: {  	_ =	shalt  }
0x41: {  	_ =	shalt  }
0x42: {  	_ =	shalt  }
0x43: {  	_ =	shalt  }
0x44: {  	_ =	shalt  }
0x45: {  	_ =	shalt  }
0x46: {  	_ =	shalt  }
0x47: {  	_ =	shalt  }
0x48: {  	_ =	shalt  }
0x49: {  	_ =	shalt  }
0x4a: {  	_ =	shalt  }
0x4b: {  	_ =	shalt  }
0x4c: {  	_ =	shalt  }
0x4d: {  	_ =	shalt  }
0x4e: {  	_ =	shalt  }
0x4f: {  	_ =	shalt  }
0x50: {  	_ =	shalt  }
0x51: {  	_ =	shalt  }
0x52: {  	_ =	shalt  }
0x53: {  	_ =	shalt  }
0x54: {  	_ =	shalt  }
0x55: {  	_ =	shalt  }
0x56: {  	_ =	shalt  }
0x57: {  	_ =	shalt  }
0x58: {  	_ =	shalt  }
0x59: {  	_ =	shalt  }
0x5a: {  	_ =	shalt  }
0x5b: {  	_ =	shalt  }
0x5c: {  	_ =	shalt  }
0x5d: {  	_ =	shalt  }
0x5e: {  	_ =	shalt  }
0x5f: {  	_ =	shalt  }
0x60: {  	_ =	shalt  }
0x61: {  	_ =	shalt  }
0x62: {  	_ =	shalt  }
0x63: {  	_ =	shalt  }
0x64: {  	_ =	shalt  }
0x65: {  	_ =	shalt  }
0x66: {  	_ =	shalt  }
0x67: {  	_ =	shalt  }
0x68: {  	_ =	shalt  }
0x69: {  	_ =	shalt  }
0x6a: {  	_ =	shalt  }
0x6b: {  	_ =	shalt  }
0x6c: {  	_ =	shalt  }
0x6d: {  	_ =	shalt  }
0x6e: {  	_ =	shalt  }
0x6f: {  	_ =	shalt  }
0x70: {  	_ =	shalt  }
0x71: {  	_ =	shalt  }
0x72: {  	_ =	shalt  }
0x73: {  	_ =	shalt  }
0x74: {  	_ =	shalt  }
0x75: {  	_ =	shalt  }
0x76: {  	_ =	shalt  }
0x77: {  	_ =	shalt  }
0x78: {  	_ =	shalt  }
0x79: {  	_ =	shalt  }
0x7a: {  	_ =	shalt  }
0x7b: {  	_ =	shalt  }
0x7c: {  	_ =	shalt  }
0x7d: {  	_ =	shalt  }
0x7e: {  	_ =	shalt  }
0x7f: {  	_ =	shalt  }
0x80: {  	_ =	shalt  }
0x81: {  	_ =	shalt  }
0x82: {  	_ =	shalt  }
0x83: {  	_ =	shalt  }
0x84: {  	_ =	shalt  }
0x85: {  	_ =	shalt  }
0x86: {  	_ =	shalt  }
0x87: {  	_ =	shalt  }
.Lfunc_end0:
.L_simem_size_0:
called_computation.1_lowered:
.L_overlay_start_0:
0x88: {  	s2 =	sld [smem:$0x3FD9]  }
0x89: {  	s3 =	sld [smem:$0x3FFE];
	_ =	sdelay $0x1  }
0x8a: {  	s1 =	srdreg.scid  }
0x8b: {  	s0 =	sand.u32 $0x1, s1  }
0x8c: {  	s17 =	sshll.u32 s0, $0xA;
	s2 =	sadd.s32 s3, s2  }
0x8d: {  	s2 =	sadd.s32 s2, s17  }
0x8e: {  	[smem:$0x3FC2] =	sst s2  }
0x8f: {  	_ = 	snop  }
0x90: {  	s2 =	sld [smem:$0x3FD0];
	(tm) =	ssettm $0x1  }
0x91: {  	s18 =	sld [smem:$0x3FFB];
	_ =	sdelay $0x3  }
0x92: {  	_ =	strace s18  }
0x93: {  	s3 =	sld [smem:$0x3FFC];
	_ =	sdelay $0x3  }
0x94: {  	_ =	strace s3  }
0x95: {  	s3 =	sld [smem:$0x3FFD];
	_ =	sdelay $0x3  }
0x96: {  	_ =	strace s3  }
0x97: {  	_ =	strace $0x8FFFFFFF  }
0x98: {  	s19 =	sld [smem:$0x3FDB];
	_ =	sdelay $0x1  }
0x99: {  	s4 =	simm.s32 $_scs_section_size  }
0x9a: {  	s5 =	simm.s32 $_size__tile_overlayer_lowered;
	s6 =	simm.s32 $_tile_overlayer_lowered  }
0x9b: {  	s22 =	simm.s32 $0x1BFF;
	s21 =	sshll.u32 s6, $0x1;
	s3 =	sadd.s32 s4, s19  }
0x9c: {  	s7 =	simm.s32 $0x0;
	s20 =	sshll.u32 s5, $0x1;
	s5 =	sadd.s32 s21, s3  }
0x9d: {  	[timem:s7], [sflag:s22] =	dma.local [hbm:s5], s20  }
0x9e: {  	_ =	swait.ge [sflag:s22], s20  }
0x9f: {  	s4 =	ssub.s32 $0x0, s20;
	[sflag:s22] =	ssyncset.done $0x0  }
0xa0: {  	[sflag:s22] =	ssyncadd.s32 s4;
	_ =	sdelay $0x1  }
0xa1: {  	s23 =	simm.s32 $0x1B8B  }
0xa2: {  	_ =	swait.ge [sflag:s23], $0x1  }
0xa3: {  	[sflag:s23] =	ssyncset.done $0x0  }
0xa4: {  	s25 =	simm.s32 $0x1B8E;
	s24 =	sld [smem:$0x3FFE];
	[sflag:s23] =	ssyncadd.s32 $0xFFFFFFFF  }
0xa5: {  	s26 =	simm.s32 $execute0_lowered;
	[smem:$0x3FD2] =	sst s25  }
0xa6: {  	s5 =	sshll.u32 s26, $0x1;
	_ =	strace $0x80000049;
	[dreg:$0x1] =	wrdreg $0xFFFFFFFF  }
0xa7: {  	s28 =	simm.s32 $_size_execute0_lowered;
	s3 =	sadd.s32 s3, s5;
	[dreg:$0x0] =	wrdreg $0x0  }
0xa8: {  	s5 =	sshll.u32 s28, $0x1;
	[dreg:$0x2] =	wrdreg s3  }
0xa9: {  	[dreg:$0x3] =	wrdreg s5  }
0xaa: {  	[dreg:$0x4] =	wrdreg $0xC0  }
0xab: {  	_ =	task [dreg:s7], $0x5FFFF  }
0xac: {  	[dreg:$0x1] =	wrdreg $0xFFFFFFFF  }
0xad: {  	[dreg:$0x0] =	wrdreg $0x60  }
0xae: {  	[dreg:$0x2] =	wrdreg s24  }
0xaf: {  	[dreg:$0x3] =	wrdreg s2  }
0xb0: {  	[dreg:$0x4] =	wrdreg $0x0  }
0xb1: {  	[dreg:$0x5] =	wrdreg $0x9  }
0xb2: {  	_ =	task.clear_ibuf [dreg:s7], $0x6FFFF;
	_ =	strace $0x90000049  }
0xb3: {  	s29 =	simm.s32 $0x9;
	_ =	strace $0x8000004B  }
0xb4: {  	_ =	swait.ge [sflag:s29], $0x1  }
0xb5: {  	[sflag:s29] =	ssyncadd.s32 $0xFFFFFFFF  }
0xb6: {  	_ =	strace $0x9000004B  }
0xb7: {  	_ =	sfence  }
0xb8: {  	s30 =	sld [smem:$0x0];
	_ =	sdelay $0x2  }
0xb9: {  	s31 =	sshll.u32 s1, $0xD;
	s1 =	sshrl.u32 s1, $0x2  }
0xba: {  	s3 =	sand.u32 $0x4000, s31;
	s1 =	sadd.s32 s1, s30  }
0xbb: {  	s0 =	sor.u32 s3, s0;
	s1 =	sshll.u32 s1, $0x11  }
0xbc: {  	s0 =	sor.u32 s1, s0  }
0xbd: {  	s0 =	sadd.s32 $0x8F2B, s0  }
0xbe: {  	[sflag:s0] =	ssyncadd.remote.s32 $0x1  }
0xbf: {  	_ =	sfence.sel $0xFFFF  }
0xc0: {  	[dreg:$0x0] =	wrdreg $0xFFFFFFFF;
	(pc) =	sbr.abs _section_cstart, $3  }
0xc1: {  	[dreg:$0x1] =	wrdreg $0xFFFFFFFF  }
0xc2: {  	_ =	task.clear_ibuf [dreg:s7], $0x2FFFF;
	_ =	strace $0x9FFFFFFF  }
0xc3: {  	(tm) =	ssettm $0x7FFFFFFF  }
tec
execute0_lowered:
.L_overlay_start_1:
0x0: {  	(tag) =	ssettag $0x1  }
0x1: {  	s1 =	rddreg [dreg:$0x0]  }
0x2: {  	s4 =	rddreg [dreg:$0x1];
	s0 =	srdreg.scid  }
0x3: {  	s2 =	rddreg [dreg:$0x2];
	s11 =	stileid.u32  }
0x4: {  	s3 =	simm.s32 $0x0;
	s31 =	simm.s32 $0x9F60;
	s29 =	simm.s32 $0x50  }
0x5: {  	s28 =	simm.s32 $0x12;
	s5 =	sand.u32 $0x1, s0;
	s6 =	smul.u32 $0x2710, s11  }
0x6: {  	[smem:$0x7FF] =	sst s3;
	s12 =	sadd.s32 $0xB000, s1;
	s0 =	smul.u32 $0x27100, s5  }
0x7: {  	s13 =	sadd.s32 $0x1200, s1;
	s7 =	ssub.s32 $0x2, s5;
	s5 =	smul.u32 $0x13880, s5  }
0x8: {  	_ =	strace $0x8000004A;
	[dreg:$0x5] =	wrdreg s13;
	s0 =	sadd.s32 s6, s0  }
0x9: {  	[dreg:$0x4] =	wrdreg s12;
	s4 =	sadd.s32 s4, s5;
	s8 =	sshrl.u32 s0, $0x3  }
0xa: {  	s15 =	sshrl.u32 s7, $0x1;
	[dreg:$0x12] =	wrdreg s4;
	s16 =	sadd.s32 s12, s8  }
0xb: {  	s17 =	sadd.s32 s13, s8;
	s18 =	sadd.s32 $0xA, s8;
	[dreg:$0x6] =	wrdreg s16  }
0xc: {  	s6 =	ssub.s32 s7, s15;
	[dreg:$0x7] =	wrdreg s17;
	s10 =	sadd.s32 s12, s18  }
0xd: {  	s9 =	sadd.s32 $0x14, s8;
	s7 =	sadd.s32 s13, s18;
	[dreg:$0x8] =	wrdreg s10  }
0xe: {  	s30 =	simm.s32 $0x13;
	s19 =	sadd.s32 s12, s9;
	[dreg:$0x9] =	wrdreg s7  }
0xf: {  	s21 =	sadd.s32 $0x1E, s8;
	s20 =	sadd.s32 s13, s9;
	[dreg:$0xa] =	wrdreg s19  }
0x10: {  	s22 =	sadd.s32 $0x28, s8;
	s23 =	sadd.s32 s12, s21;
	[dreg:$0xb] =	wrdreg s20  }
0x11: {  	p0 =	sne.s32 s11, $0xF;
	s24 =	sadd.s32 s12, s22;
	[dreg:$0xc] =	wrdreg s23  }
0x12: {  	s14 =	sadd.s32 $0x3C, s8;
	s25 =	sadd.s32 s13, s22;
	[dreg:$0xe] =	wrdreg s24  }
0x13: {  	s15 =	smul.u32 $0x14000, s11;
	s16 =	sadd.s32 s12, s14;
	[dreg:$0xf] =	wrdreg s25  }
0x14: {  	s11 =	simm.s32 $0x17;
	s17 =	sadd.s32 s13, s14;
	[dreg:$0x13] =	wrdreg s16  }
0x15: {  	s26 =	sadd.s32 $0x32, s8;
	s7 =	sadd.s32 s13, s21;
	[dreg:$0x14] =	wrdreg s17  }
0x16: {  	s18 =	sadd.s32 $0x46, s8;
	s10 =	sadd.s32 s12, s26;
	[dreg:$0xd] =	wrdreg s7  }
0x17: {  	s22 =	sadd.s32 $0x4B0, s0;
	s20 =	sadd.s32 s12, s18;
	[dreg:$0x10] =	wrdreg s10  }
0x18: {  	s9 =	sadd.s32 $0x410, s0;
	s4 =	sadd.s32 s13, s18;
	[dreg:$0x15] =	wrdreg s20  }
0x19: {  	s25 =	sadd.s32 $0x14E00, s1;
	s1 =	sadd.s32 $0x27A00, s1;
	[dreg:$0x16] =	wrdreg s4  }
0x1a: {  	s19 =	sshrl.u32 s15, $0x1;
	s7 =	sadd.s32 s13, s26;
	[dreg:$0x19] =	wrdreg s1  }
0x1b: {  	s23 =	sshrl.u32 s22, $0x3;
	s21 =	sadd.s32 s19, s2;
	[dreg:$0x11] =	wrdreg s7  }
0x1c: {  	s24 =	sadd.s32 $0x460, s0;
	s26 =	smax.u32 s6, $0x1;
	[dreg:$0x17] =	wrdreg s21  }
0x1d: {  	s4 =	sshrl.u32 s24, $0x3;
	s6 =	sadd.s32 s23, s13;
	[dreg:$0x1a] =	wrdreg s26  }
0x1e: {  	s1 =	sadd.s32 s23, s12;
	s10 =	sadd.s32 $0x3C0, s0;
	[dreg:$0x1b] =	wrdreg s6  }
0x1f: {  	s19 =	sadd.s32 $0x320, s0;
	s7 =	sshrl.u32 s15, $0x4;
	[dreg:$0x1c] =	wrdreg s1  }
0x20: {  	s8 =	sadd.s32 s4, s13;
	s4 =	sadd.s32 s4, s12;
	s1 =	sshrl.u32 s9, $0x3  }
0x21: {  	s15 =	sadd.s32 $0x370, s0;
	s20 =	sshrl.u32 s19, $0x3;
	[dreg:$0x1d] =	wrdreg s8  }
0x22: {  	s21 =	sadd.s32 $0x2D0, s0;
	s0 =	sadd.s32 $0x280, s0;
	[dreg:$0x1e] =	wrdreg s4  }
0x23: {  	s26 =	sadd.s32 $0x96000, s2;
	s4 =	sshrl.u32 s10, $0x3;
	[smem:$0x7FB] =	sst s0  }
0x24: {  	s14 =	sadd.s32 s1, s13;
	s1 =	sadd.s32 s1, s12;
	[dreg:$0x18] =	wrdreg s7  }
0x25: {  	s16 =	sshrl.u32 s15, $0x3;
	s22 =	sadd.s32 s20, s13;
	[smem:$0x7FD] =	sst s26  }
0x26: {  	s23 =	sshrl.u32 s21, $0x3;
	s24 =	sadd.s32 s25, s7;
	[dreg:$0x1f] =	wrdreg s14  }
0x27: {  	s15 =	simm.s32 $0x19;
	s21 =	simm.s32 $0x15;
	[smem:$0x7F2] =	sst s1  }
0x28: {  	s8 =	simm.s32 $0x16;
	s26 =	simm.s32 $0x18;
	[smem:$0x7F7] =	sst s22  }
0x29: {  	s0 =	simm.s32 $0x0;
	s17 =	sadd.s32 s4, s13;
	[smem:$0x7FC] =	sst s24  }
0x2a: {  	s4 =	sadd.s32 s4, s12;
	s18 =	sadd.s32 s16, s13;
	[smem:$0x7F3] =	sst s17  }
0x2b: {  	s1 =	sadd.s32 s16, s12;
	s14 =	simm.s32 $0x9EC0;
	[smem:$0x7F4] =	sst s4  }
.Ltmp0:
0x2c: {  	s22 =	simm.s32 $0x11;
	[smem:$0x7F5] =	sst s18;
	(pc) =	sbr.rel .LBB2_1-.Ltmp0, $4  }
0x2d: {  	s24 =	simm.s32 $0x8;
	[smem:$0x7F6] =	sst s1;
	s1 =	sadd.s32 s20, s12  }
0x2e: {  	s16 =	simm.s32 $0x10;
	s4 =	sadd.s32 s23, s13;
	[smem:$0x7F8] =	sst s1  }
0x2f: {  	s17 =	simm.s32 $0x9F10;
	[smem:$0x7F9] =	sst s4;
	s1 =	sadd.s32 s23, s12  }
0x30: {  	s13 =	simm.s32 $0xD;
	[smem:$0x7FA] =	sst s1;
	s1 =	simm.s32 $0x14  }
.LBB2_4:
0x31: {  	_ =	swait.ge [sflag:s22], $0x1400  }
0x32: {  	[sflag:s22] =	ssyncset.done $0x0  }
0x33: {  	s14 =	simm.s32 $0x9EC0;
	s0 =	simm.s32 $0xA140;
	[sflag:s22] =	ssyncadd.s32 $0xFFFFEC00  }
0x34: {  	[spmem:s2] =	stream.indirect.scatter.add.bf16 [tilespmem:s0], [sflag:$0x19], $0x40, s14, s29, $0xb8;
	[tilespmem:$0x14140] =	vst v63  }
0x35: {  	_ =	swait.ge [sflag:s15], $0x1400  }
0x36: {  	[sflag:s15] =	ssyncset.done $0x0  }
0x37: {  	[sflag:s15] =	ssyncadd.s32 $0xFFFFEC00  }
0x38: {  	_ =	swait.ge [sflag:s28], $0x1400  }
0x39: {  	[sflag:s28] =	ssyncset.done $0x0  }
0x3a: {  	s17 =	simm.s32 $0x9F10;
	s10 =	simm.s32 $0xB540;
	[sflag:s28] =	ssyncadd.s32 $0xFFFFEC00  }
0x3b: {  	[spmem:s2] =	stream.indirect.scatter.add.bf16 [tilespmem:s10], [sflag:$0x19], $0x40, s17, s29, $0xb8;
	[tilespmem:$0x14140] =	vst v63  }
0x3c: {  	_ =	swait.ge [sflag:s15], $0x1400  }
0x3d: {  	[sflag:s15] =	ssyncset.done $0x0  }
0x3e: {  	[sflag:s15] =	ssyncadd.s32 $0xFFFFEC00  }
0x3f: {  	_ =	swait.ge [sflag:s30], $0x1400  }
0x40: {  	[sflag:s30] =	ssyncset.done $0x0  }
0x41: {  	s31 =	simm.s32 $0x9F60;
	s12 =	simm.s32 $0xC940;
	[sflag:s30] =	ssyncadd.s32 $0xFFFFEC00  }
0x42: {  	[spmem:s2] =	stream.indirect.scatter.add.bf16 [tilespmem:s12], [sflag:$0x19], $0x40, s31, s29, $0xb8;
	[tilespmem:$0x14140] =	vst v63  }
0x43: {  	_ =	swait.ge [sflag:s15], $0x1400  }
0x44: {  	[sflag:s15] =	ssyncset.done $0x0  }
0x45: {  	[sflag:s15] =	ssyncadd.s32 $0xFFFFEC00  }
0x46: {  	_ =	swait.ge [sflag:s1], $0x1400  }
0x47: {  	[sflag:s1] =	ssyncset.done $0x0  }
0x48: {  	s18 =	simm.s32 $0x9FB0;
	[sflag:s1] =	ssyncadd.s32 $0xFFFFEC00  }
0x49: {  	[spmem:s2] =	stream.indirect.scatter.add.bf16 [tilespmem:s7], [sflag:$0x19], $0x40, s18, s29, $0xb8;
	[tilespmem:$0x14140] =	vst v63  }
0x4a: {  	_ =	swait.ge [sflag:s15], $0x1400  }
0x4b: {  	[sflag:s15] =	ssyncset.done $0x0  }
0x4c: {  	[sflag:s15] =	ssyncadd.s32 $0xFFFFEC00  }
0x4d: {  	_ =	swait.ge [sflag:s21], $0x1400  }
0x4e: {  	[sflag:s21] =	ssyncset.done $0x0  }
0x4f: {  	s19 =	simm.s32 $0xA000;
	[sflag:s21] =	ssyncadd.s32 $0xFFFFEC00  }
0x50: {  	[spmem:s2] =	stream.indirect.scatter.add.bf16 [tilespmem:s9], [sflag:$0x19], $0x40, s19, s29, $0xb8;
	[tilespmem:$0x14140] =	vst v63  }
0x51: {  	_ =	swait.ge [sflag:s15], $0x1400  }
0x52: {  	[sflag:s15] =	ssyncset.done $0x0  }
0x53: {  	[sflag:s15] =	ssyncadd.s32 $0xFFFFEC00  }
0x54: {  	[bflag:$0x0] =	sbarrier.arrive $0xFFFF  }
0x55: {  	s5 =	rddreg [dreg:$0x12]  }
0x56: {  	s0 =	sld [smem:$0x7EF]  }
0x57: {  	s6 =	sld [smem:$0x7F0]  }
0x58: {  	s4 =	rddreg [dreg:$0x18]  }
0x59: {  	s4 =	sadd.s32 @p0 s4, s5  }
0x5a: {  	[hbm:s4], [sflag:s0] =	dma.local @p0 [spmem:s6], $0x1400  }
0x5b: {  	s4 =	simm.s32 @p0 $0x19  }
0x5c: {  	_ =	swait.ge @p0 [sflag:s4], $0x1400  }
0x5d: {  	s0 =	sld [smem:$0x7F1]  }
0x5e: {  	[sflag:s4] =	ssyncset.done @p0 $0x0  }
0x5f: {  	[sflag:s4] =	ssyncadd.s32 @p0 $0xFFFFEC00;
	s4 =	sadd.s32 @!p0 $0x12C00, s5;
	s5 =	simm.s32 @!p0 $0x1FD9  }
0x60: {  	[hbm:s4], [sflag:s5] =	dma.local @!p0 [spmem:s0], $0xC80  }
0x61: {  	s4 =	simm.s32 @!p0 $0x19  }
0x62: {  	_ =	swait.ge @!p0 [sflag:s4], $0xC80  }
0x63: {  	s20 =	sld [smem:$0x7EE];
	_ =	sdelay $0x2  }
0x64: {  	s23 =	rddreg [dreg:$0x1a];
	s0 =	sadd.s32 $0x1, s20  }
0x65: {  	p1 =	sne.s32 s0, s23  }
.Ltmp1:
0x66: {  	_ = 	snop;
	(pc) =	sbr.rel @!p1 .LBB2_5-.Ltmp1, $3  }
0x67: {  	_ =	sdelay $0x1  }
0x68: {  	[sflag:s4] =	ssyncset.done @!p0 $0x0  }
0x69: {  	[sflag:s4] =	ssyncadd.s32 @!p0 $0xFFFFF380  }
.LBB2_1:
0x6a: {  	[smem:$0x7EE] =	sst s0  }
0x6b: {  	s4 =	rddreg [dreg:$0x6];
	s5 =	simm.s32 $0x9C40  }
0x6c: {  	[tilespmem:s5], [sflag:$0x1] =	stream.linear.gather [hbm4b:s4+s3], $0x50, $0x38;
	[tilespmem:$0x14140] =	vst v63  }
0x6d: {  	s12 =	rddreg [dreg:$0x7]  }
0x6e: {  	[tilespmem:s14], [sflag:$0x9] =	stream.linear.gather [hbm4b:s12+s3], $0x50, $0x38;
	[tilespmem:$0x14140] =	vst v63  }
0x6f: {  	s18 =	rddreg [dreg:$0x8];
	s19 =	simm.s32 $0x9C90  }
0x70: {  	[tilespmem:s19], [sflag:$0x2] =	stream.linear.gather [hbm4b:s18+s3], $0x50, $0x38;
	[tilespmem:$0x14140] =	vst v63  }
0x71: {  	s12 =	rddreg [dreg:$0x9]  }
0x72: {  	[tilespmem:s17], [sflag:$0xA] =	stream.linear.gather [hbm4b:s12+s3], $0x50, $0x38;
	[tilespmem:$0x14140] =	vst v63  }
0x73: {  	s18 =	rddreg [dreg:$0xa];
	s17 =	simm.s32 $0x9CE0  }
0x74: {  	[tilespmem:s17], [sflag:$0x3] =	stream.linear.gather [hbm4b:s18+s3], $0x50, $0x38;
	[tilespmem:$0x14140] =	vst v63  }
0x75: {  	s12 =	rddreg [dreg:$0xb]  }
0x76: {  	[tilespmem:s31], [sflag:$0xB] =	stream.linear.gather [hbm4b:s12+s3], $0x50, $0x38;
	[tilespmem:$0x14140] =	vst v63  }
0x77: {  	s18 =	rddreg [dreg:$0xc];
	s31 =	simm.s32 $0x9D30  }
0x78: {  	[tilespmem:s31], [sflag:$0x4] =	stream.linear.gather [hbm4b:s18+s3], $0x50, $0x38;
	[tilespmem:$0x14140] =	vst v63  }
0x79: {  	s14 =	simm.s32 $0x9FB0;
	s12 =	rddreg [dreg:$0xd]  }
0x7a: {  	[tilespmem:s14], [sflag:$0xC] =	stream.linear.gather [hbm4b:s12+s3], $0x50, $0x38;
	[tilespmem:$0x14140] =	vst v63  }
0x7b: {  	s18 =	rddreg [dreg:$0xe];
	s12 =	simm.s32 $0x9D80  }
0x7c: {  	[tilespmem:s12], [sflag:$0x5] =	stream.linear.gather [hbm4b:s18+s3], $0x50, $0x38;
	[tilespmem:$0x14140] =	vst v63  }
0x7d: {  	s0 =	simm.s32 $0xA000;
	s14 =	rddreg [dreg:$0xf]  }
0x7e: {  	[tilespmem:s0], [sflag:$0xD] =	stream.linear.gather [hbm4b:s14+s3], $0x50, $0x38;
	[tilespmem:$0x14140] =	vst v63  }
0x7f: {  	s12 =	rddreg [dreg:$0x10];
	s0 =	simm.s32 $0x9DD0  }
0x80: {  	[tilespmem:s0], [sflag:$0x6] =	stream.linear.gather [hbm4b:s12+s3], $0x50, $0x38;
	[tilespmem:$0x14140] =	vst v63  }
0x81: {  	s14 =	rddreg [dreg:$0x11];
	s12 =	simm.s32 $0xA050  }
0x82: {  	[tilespmem:s12], [sflag:$0xE] =	stream.linear.gather [hbm4b:s14+s3], $0x50, $0x38;
	[tilespmem:$0x14140] =	vst v63  }
0x83: {  	s14 =	rddreg [dreg:$0x13];
	s12 =	simm.s32 $0x9E20  }
0x84: {  	[tilespmem:s12], [sflag:$0x7] =	stream.linear.gather [hbm4b:s14+s3], $0x50, $0x38;
	[tilespmem:$0x14140] =	vst v63  }
0x85: {  	s14 =	rddreg [dreg:$0x14];
	s12 =	simm.s32 $0xA0A0  }
0x86: {  	[tilespmem:s12], [sflag:$0xF] =	stream.linear.gather [hbm4b:s14+s3], $0x50, $0x38;
	[tilespmem:$0x14140] =	vst v63  }
0x87: {  	s14 =	rddreg [dreg:$0x15];
	s12 =	simm.s32 $0x9E70  }
0x88: {  	[tilespmem:s12], [sflag:$0x8] =	stream.linear.gather [hbm4b:s14+s3], $0x50, $0x38;
	[tilespmem:$0x14140] =	vst v63  }
0x89: {  	s4 =	stileid.u32;
	s12 =	rddreg [dreg:$0x16]  }
0x8a: {  	s6 =	simm.s32 $0xA0F0;
	s14 =	sshll.u32 @p0 s4, $0x6;
	s4 =	rddreg [dreg:$0x17]  }
0x8b: {  	[tilespmem:s6], [sflag:$0x10] =	stream.linear.gather [hbm4b:s12+s3], $0x50, $0x38;
	[tilespmem:$0x14140] =	vst v63  }
0x8c: {  	s12 =	sor.u32 @p0 $0x1C19, s14;
	s14 =	sshrl.u32 @p0 s4, $0x3;
	s4 =	sld [smem:$0x7FC]  }
0x8d: {  	[smem:$0x7EF] =	sst s12  }
0x8e: {  	[smem:$0x7F0] =	sst s14  }
0x8f: {  	[spmem:s14], [sflag:s12] =	dma.local @p0 [hbm:s4], $0x1400  }
0x90: {  	s14 =	simm.s32 @p0 $0x19  }
0x91: {  	_ =	swait.ge @p0 [sflag:s14], $0x1400  }
0x92: {  	s4 =	sld [smem:$0x7FD];
	_ =	sdelay $0x2  }
0x93: {  	[sflag:s14] =	ssyncset.done @p0 $0x0;
	s12 =	sshrl.u32 @!p0 s4, $0x3;
	s4 =	rddreg [dreg:$0x19]  }
0x94: {  	[sflag:s14] =	ssyncadd.s32 @p0 $0xFFFFEC00;
	s14 =	simm.s32 @!p0 $0x1FD9;
	[smem:$0x7F1] =	sst s12  }
0x95: {  	[spmem:s12], [sflag:s14] =	dma.local @!p0 [hbm:s4], $0xC80  }
0x96: {  	s14 =	simm.s32 @!p0 $0x19  }
0x97: {  	_ =	swait.ge @!p0 [sflag:s14], $0xC80  }
0x98: {  	[sflag:s14] =	ssyncset.done @!p0 $0x0  }
0x99: {  	[sflag:s14] =	ssyncadd.s32 @!p0 $0xFFFFF380  }
0x9a: {  	s14 =	simm.s32 $0x1;
	[bflag:$0x0] =	sbarrier.arrive $0xFFFF  }
0x9b: {  	_ =	swait.ge [sflag:s14], $0x50  }
0x9c: {  	[sflag:s14] =	ssyncset.done $0x0  }
0x9d: {  	s12 =	simm.s32 $0x9;
	[sflag:s14] =	ssyncadd.s32 $0xFFFFFFB0  }
0x9e: {  	_ =	swait.ge [sflag:s12], $0x50  }
0x9f: {  	[sflag:s12] =	ssyncset.done $0x0  }
0xa0: {  	s20 =	simm.s32 $0xA140;
	s14 =	simm.s32 $0x2;
	[sflag:s12] =	ssyncadd.s32 $0xFFFFFFB0  }
0xa1: {  	[tilespmem:s20], [sflag:$0x11] =	stream.indirect.gather [hbm4b:s25+s29], $0x40, s5, s29, $0xb8;
	[tilespmem:$0x14140] =	vst v63  }
0xa2: {  	_ =	swait.ge [sflag:s14], $0x50  }
0xa3: {  	[sflag:s14] =	ssyncset.done $0x0  }
0xa4: {  	s20 =	simm.s32 $0xA;
	[sflag:s14] =	ssyncadd.s32 $0xFFFFFFB0  }
0xa5: {  	_ =	swait.ge [sflag:s20], $0x50  }
0xa6: {  	[sflag:s20] =	ssyncset.done $0x0  }
0xa7: {  	s7 =	simm.s32 $0xB540;
	s5 =	simm.s32 $0x3;
	[sflag:s20] =	ssyncadd.s32 $0xFFFFFFB0  }
0xa8: {  	[tilespmem:s7], [sflag:$0x12] =	stream.indirect.gather [hbm4b:s25+s29], $0x40, s19, s29, $0xb8;
	[tilespmem:$0x14140] =	vst v63  }
0xa9: {  	_ =	swait.ge [sflag:s5], $0x50  }
0xaa: {  	[sflag:s5] =	ssyncset.done $0x0  }
0xab: {  	s7 =	simm.s32 $0xB;
	[sflag:s5] =	ssyncadd.s32 $0xFFFFFFB0  }
0xac: {  	_ =	swait.ge [sflag:s7], $0x50  }
0xad: {  	[sflag:s7] =	ssyncset.done $0x0  }
0xae: {  	s9 =	simm.s32 $0xC940;
	s12 =	simm.s32 $0x4;
	[sflag:s7] =	ssyncadd.s32 $0xFFFFFFB0  }
0xaf: {  	[tilespmem:s9], [sflag:$0x13] =	stream.indirect.gather [hbm4b:s25+s29], $0x40, s17, s29, $0xb8;
	[tilespmem:$0x14140] =	vst v63  }
0xb0: {  	_ =	swait.ge [sflag:s12], $0x50  }
0xb1: {  	[sflag:s12] =	ssyncset.done $0x0  }
0xb2: {  	s14 =	simm.s32 $0xC;
	[sflag:s12] =	ssyncadd.s32 $0xFFFFFFB0  }
0xb3: {  	_ =	swait.ge [sflag:s14], $0x50  }
0xb4: {  	[sflag:s14] =	ssyncset.done $0x0  }
0xb5: {  	s23 =	simm.s32 $0xDD40;
	s17 =	simm.s32 $0x5;
	[sflag:s14] =	ssyncadd.s32 $0xFFFFFFB0  }
0xb6: {  	[tilespmem:s23], [sflag:$0x14] =	stream.indirect.gather [hbm4b:s25+s29], $0x40, s31, s29, $0xb8;
	[tilespmem:$0x14140] =	vst v63  }
0xb7: {  	_ =	swait.ge [sflag:s17], $0x50  }
0xb8: {  	[sflag:s17] =	ssyncset.done $0x0  }
0xb9: {  	[sflag:s17] =	ssyncadd.s32 $0xFFFFFFB0  }
0xba: {  	_ =	swait.ge [sflag:s13], $0x50  }
0xbb: {  	s18 =	simm.s32 $0x9D80;
	[sflag:s13] =	ssyncset.done $0x0  }
0xbc: {  	s20 =	simm.s32 $0xF140;
	s23 =	simm.s32 $0x6;
	[sflag:s13] =	ssyncadd.s32 $0xFFFFFFB0  }
0xbd: {  	[tilespmem:s20], [sflag:$0x15] =	stream.indirect.gather [hbm4b:s25+s29], $0x40, s18, s29, $0xb8;
	[tilespmem:$0x14140] =	vst v63  }
0xbe: {  	_ =	swait.ge [sflag:s23], $0x50  }
0xbf: {  	[sflag:s23] =	ssyncset.done $0x0  }
0xc0: {  	s31 =	simm.s32 $0xE;
	[sflag:s23] =	ssyncadd.s32 $0xFFFFFFB0  }
0xc1: {  	_ =	swait.ge [sflag:s31], $0x50  }
0xc2: {  	s10 =	simm.s32 $0x10540;
	s19 =	simm.s32 $0x9E70;
	[sflag:s31] =	ssyncset.done $0x0  }
0xc3: {  	s17 =	simm.s32 $0x0;
	s14 =	sld [smem:$0x7FB];
	[sflag:s31] =	ssyncadd.s32 $0xFFFFFFB0  }
0xc4: {  	[tilespmem:s10], [sflag:$0x16] =	stream.indirect.gather [hbm4b:s25+s29], $0x40, s0, s29, $0xb8;
	[tilespmem:$0x14140] =	vst v63  }
.LBB2_2:
0xc5: {  	_ =	swait.ge [sflag:s22], $0x1400  }
0xc6: {  	[sflag:s22] =	ssyncset.done $0x0  }
0xc7: {  	s0 =	simm.s32 $0x9EC0;
	s7 =	simm.s32 $0xA140;
	[sflag:s22] =	ssyncadd.s32 $0xFFFFEC00  }
0xc8: {  	[spmem:s2] =	stream.indirect.scatter.add.bf16 [tilespmem:s7], [sflag:$0x19], $0x40, s0, s29, $0xb8;
	[tilespmem:$0x14140] =	vst v63  }
0xc9: {  	s31 =	simm.s32 $0x9C40;
	_ =	swait.ge [sflag:s15], $0x1400  }
0xca: {  	s4 =	sshrl.u32 s14, $0x3;
	[sflag:s15] =	ssyncset.done $0x0;
	s5 =	rddreg [dreg:$0x4]  }
0xcb: {  	s23 =	rddreg [dreg:$0x5];
	[sflag:s15] =	ssyncadd.s32 $0xFFFFEC00;
	s5 =	sadd.s32 s5, s4  }
0xcc: {  	[tilespmem:s31], [sflag:$0x1] =	stream.linear.gather [hbm4b:s5+s3], $0x50, $0x38;
	[tilespmem:$0x14140] =	vst v63  }
0xcd: {  	s4 =	sadd.s32 s23, s4  }
0xce: {  	[tilespmem:s0], [sflag:$0x9] =	stream.linear.gather [hbm4b:s4+s3], $0x50, $0x38;
	[tilespmem:$0x14140] =	vst v63  }
0xcf: {  	s4 =	simm.s32 $0x7  }
0xd0: {  	_ =	swait.ge [sflag:s4], $0x50  }
0xd1: {  	[sflag:s4] =	ssyncset.done $0x0  }
0xd2: {  	s5 =	simm.s32 $0xF;
	[sflag:s4] =	ssyncadd.s32 $0xFFFFFFB0  }
0xd3: {  	_ =	swait.ge [sflag:s5], $0x50  }
0xd4: {  	[sflag:s5] =	ssyncset.done $0x0  }
0xd5: {  	s9 =	simm.s32 $0x9E20;
	s18 =	simm.s32 $0x11940;
	[sflag:s5] =	ssyncadd.s32 $0xFFFFFFB0  }
0xd6: {  	[tilespmem:s18], [sflag:$0x17] =	stream.indirect.gather [hbm4b:s25+s29], $0x40, s9, s29, $0xb8;
	[tilespmem:$0x14140] =	vst v63  }
0xd7: {  	_ =	swait.ge [sflag:s28], $0x1400  }
0xd8: {  	[sflag:s28] =	ssyncset.done $0x0  }
0xd9: {  	s12 =	simm.s32 $0x9F10;
	s9 =	simm.s32 $0xB540;
	[sflag:s28] =	ssyncadd.s32 $0xFFFFEC00  }
0xda: {  	[spmem:s2] =	stream.indirect.scatter.add.bf16 [tilespmem:s9], [sflag:$0x19], $0x40, s12, s29, $0xb8;
	[tilespmem:$0x14140] =	vst v63  }
0xdb: {  	_ =	swait.ge [sflag:s15], $0x1400  }
0xdc: {  	s20 =	sld [smem:$0x7FA];
	_ =	sdelay $0x1  }
0xdd: {  	[sflag:s15] =	ssyncset.done $0x0;
	s23 =	sld [smem:$0x7F9]  }
0xde: {  	s0 =	simm.s32 $0x9C90;
	[sflag:s15] =	ssyncadd.s32 $0xFFFFEC00;
	s4 =	sadd.s32 s17, s20  }
0xdf: {  	[tilespmem:s0], [sflag:$0x2] =	stream.linear.gather [hbm4b:s4+s3], $0x50, $0x38;
	[tilespmem:$0x14140] =	vst v63  }
0xe0: {  	s4 =	sadd.s32 s17, s23  }
0xe1: {  	[tilespmem:s12], [sflag:$0xA] =	stream.linear.gather [hbm4b:s4+s3], $0x50, $0x38;
	[tilespmem:$0x14140] =	vst v63  }
0xe2: {  	_ =	swait.ge [sflag:s24], $0x50  }
0xe3: {  	[sflag:s24] =	ssyncset.done $0x0  }
0xe4: {  	[sflag:s24] =	ssyncadd.s32 $0xFFFFFFB0  }
0xe5: {  	_ =	swait.ge [sflag:s16], $0x50  }
0xe6: {  	[sflag:s16] =	ssyncset.done $0x0  }
0xe7: {  	s12 =	simm.s32 $0x12D40;
	[sflag:s16] =	ssyncadd.s32 $0xFFFFFFB0  }
0xe8: {  	[tilespmem:s12], [sflag:$0x18] =	stream.indirect.gather [hbm4b:s25+s29], $0x40, s19, s29, $0xb8;
	[tilespmem:$0x14140] =	vst v63  }
0xe9: {  	_ =	swait.ge [sflag:s30], $0x1400  }
0xea: {  	[sflag:s30] =	ssyncset.done $0x0  }
0xeb: {  	s23 =	simm.s32 $0xC940;
	s19 =	simm.s32 $0x9F60;
	[sflag:s30] =	ssyncadd.s32 $0xFFFFEC00  }
0xec: {  	[spmem:s2] =	stream.indirect.scatter.add.bf16 [tilespmem:s23], [sflag:$0x19], $0x40, s19, s29, $0xb8;
	[tilespmem:$0x14140] =	vst v63  }
0xed: {  	_ =	swait.ge [sflag:s15], $0x1400  }
0xee: {  	s5 =	sld [smem:$0x7F8];
	_ =	sdelay $0x1  }
0xef: {  	[sflag:s15] =	ssyncset.done $0x0  }
0xf0: {  	[sflag:s15] =	ssyncadd.s32 $0xFFFFEC00;
	s4 =	sadd.s32 s17, s5;
	s5 =	simm.s32 $0x9CE0  }
0xf1: {  	[tilespmem:s5], [sflag:$0x3] =	stream.linear.gather [hbm4b:s4+s3], $0x50, $0x38;
	[tilespmem:$0x14140] =	vst v63  }
0xf2: {  	s4 =	sld [smem:$0x7F7];
	_ =	sdelay $0x2  }
0xf3: {  	s4 =	sadd.s32 s17, s4  }
0xf4: {  	[tilespmem:s19], [sflag:$0xB] =	stream.linear.gather [hbm4b:s4+s3], $0x50, $0x38;
	[tilespmem:$0x14140] =	vst v63  }
0xf5: {  	s19 =	simm.s32 $0x1  }
0xf6: {  	_ =	swait.ge [sflag:s19], $0x50  }
0xf7: {  	[sflag:s19] =	ssyncset.done $0x0  }
0xf8: {  	[sflag:s19] =	ssyncadd.s32 $0xFFFFFFB0;
	s19 =	simm.s32 $0x9  }
0xf9: {  	_ =	swait.ge [sflag:s19], $0x50  }
0xfa: {  	[sflag:s19] =	ssyncset.done $0x0  }
0xfb: {  	[sflag:s19] =	ssyncadd.s32 $0xFFFFFFB0  }
0xfc: {  	[tilespmem:s7], [sflag:$0x11] =	stream.indirect.gather [hbm4b:s25+s29], $0x40, s31, s29, $0xb8;
	[tilespmem:$0x14140] =	vst v63  }
0xfd: {  	_ =	swait.ge [sflag:s1], $0x1400  }
0xfe: {  	[sflag:s1] =	ssyncset.done $0x0  }
0xff: {  	s31 =	simm.s32 $0x9FB0;
	s7 =	simm.s32 $0xDD40;
	[sflag:s1] =	ssyncadd.s32 $0xFFFFEC00  }
0x100: {  	[spmem:s2] =	stream.indirect.scatter.add.bf16 [tilespmem:s7], [sflag:$0x19], $0x40, s31, s29, $0xb8;
	[tilespmem:$0x14140] =	vst v63  }
0x101: {  	_ =	swait.ge [sflag:s15], $0x1400  }
0x102: {  	s19 =	sld [smem:$0x7F6];
	_ =	sdelay $0x1  }
0x103: {  	[sflag:s15] =	ssyncset.done $0x0  }
0x104: {  	[sflag:s15] =	ssyncadd.s32 $0xFFFFEC00;
	s4 =	sadd.s32 s17, s19;
	s19 =	simm.s32 $0x9D30  }
0x105: {  	[tilespmem:s19], [sflag:$0x4] =	stream.linear.gather [hbm4b:s4+s3], $0x50, $0x38;
	[tilespmem:$0x14140] =	vst v63  }
0x106: {  	s4 =	sld [smem:$0x7F5];
	_ =	sdelay $0x2  }
0x107: {  	s4 =	sadd.s32 s17, s4  }
0x108: {  	[tilespmem:s31], [sflag:$0xC] =	stream.linear.gather [hbm4b:s4+s3], $0x50, $0x38;
	[tilespmem:$0x14140] =	vst v63  }
0x109: {  	s31 =	simm.s32 $0x2  }
0x10a: {  	_ =	swait.ge [sflag:s31], $0x50  }
0x10b: {  	[sflag:s31] =	ssyncset.done $0x0  }
0x10c: {  	[sflag:s31] =	ssyncadd.s32 $0xFFFFFFB0;
	s31 =	simm.s32 $0xA  }
0x10d: {  	_ =	swait.ge [sflag:s31], $0x50  }
0x10e: {  	[sflag:s31] =	ssyncset.done $0x0  }
0x10f: {  	[sflag:s31] =	ssyncadd.s32 $0xFFFFFFB0  }
0x110: {  	[tilespmem:s9], [sflag:$0x12] =	stream.indirect.gather [hbm4b:s25+s29], $0x40, s0, s29, $0xb8;
	[tilespmem:$0x14140] =	vst v63  }
0x111: {  	_ =	swait.ge [sflag:s21], $0x1400  }
0x112: {  	[sflag:s21] =	ssyncset.done $0x0  }
0x113: {  	s31 =	simm.s32 $0xA000;
	s9 =	simm.s32 $0xF140;
	[sflag:s21] =	ssyncadd.s32 $0xFFFFEC00  }
0x114: {  	[spmem:s2] =	stream.indirect.scatter.add.bf16 [tilespmem:s9], [sflag:$0x19], $0x40, s31, s29, $0xb8;
	[tilespmem:$0x14140] =	vst v63  }
0x115: {  	_ =	swait.ge [sflag:s15], $0x1400  }
0x116: {  	s0 =	sld [smem:$0x7F4];
	_ =	sdelay $0x1  }
0x117: {  	[sflag:s15] =	ssyncset.done $0x0  }
0x118: {  	[sflag:s15] =	ssyncadd.s32 $0xFFFFEC00;
	s4 =	sadd.s32 s17, s0;
	s0 =	simm.s32 $0x9D80  }
0x119: {  	[tilespmem:s0], [sflag:$0x5] =	stream.linear.gather [hbm4b:s4+s3], $0x50, $0x38;
	[tilespmem:$0x14140] =	vst v63  }
0x11a: {  	s4 =	sld [smem:$0x7F3];
	_ =	sdelay $0x2  }
0x11b: {  	s4 =	sadd.s32 s17, s4  }
0x11c: {  	[tilespmem:s31], [sflag:$0xD] =	stream.linear.gather [hbm4b:s4+s3], $0x50, $0x38;
	[tilespmem:$0x14140] =	vst v63  }
0x11d: {  	s31 =	simm.s32 $0x3  }
0x11e: {  	_ =	swait.ge [sflag:s31], $0x50  }
0x11f: {  	[sflag:s31] =	ssyncset.done $0x0  }
0x120: {  	[sflag:s31] =	ssyncadd.s32 $0xFFFFFFB0;
	s31 =	simm.s32 $0xB  }
0x121: {  	_ =	swait.ge [sflag:s31], $0x50  }
0x122: {  	[sflag:s31] =	ssyncset.done $0x0  }
0x123: {  	[sflag:s31] =	ssyncadd.s32 $0xFFFFFFB0  }
0x124: {  	[tilespmem:s23], [sflag:$0x13] =	stream.indirect.gather [hbm4b:s25+s29], $0x40, s5, s29, $0xb8;
	[tilespmem:$0x14140] =	vst v63  }
0x125: {  	_ =	swait.ge [sflag:s8], $0x1400  }
0x126: {  	[sflag:s8] =	ssyncset.done $0x0  }
0x127: {  	s23 =	simm.s32 $0xA050;
	[sflag:s8] =	ssyncadd.s32 $0xFFFFEC00  }
0x128: {  	[spmem:s2] =	stream.indirect.scatter.add.bf16 [tilespmem:s10], [sflag:$0x19], $0x40, s23, s29, $0xb8;
	[tilespmem:$0x14140] =	vst v63  }
0x129: {  	_ =	swait.ge [sflag:s15], $0x1400  }
0x12a: {  	s4 =	sld [smem:$0x7F2]  }
0x12b: {  	p1 =	seq.s32 s17, $0x460  }
0x12c: {  	s31 =	simm.s32 @!p1 $0x9DD0;
	[sflag:s15] =	ssyncset.done $0x0  }
0x12d: {  	s5 =	simm.s32 @!p1 $0x0;
	[sflag:s15] =	ssyncadd.s32 $0xFFFFEC00;
	s4 =	sadd.s32 @!p1 s17, s4  }
0x12e: {  	[tilespmem:s31], [sflag:$0x6] =	stream.linear.gather @!p1 [hbm4b:s4+s5], $0x50, $0x38;
	[tilespmem:$0x14140] =	vst v63  }
0x12f: {  	s4 =	rddreg [dreg:$0x1f]  }
0x130: {  	s31 =	simm.s32 @!p1 $0xA050;
	s4 =	sadd.s32 @!p1 s17, s4  }
0x131: {  	[tilespmem:s31], [sflag:$0xE] =	stream.linear.gather @!p1 [hbm4b:s4+s5], $0x50, $0x38;
	[tilespmem:$0x14140] =	vst v63  }
0x132: {  	s31 =	simm.s32 $0x4  }
0x133: {  	_ =	swait.ge [sflag:s31], $0x50  }
0x134: {  	[sflag:s31] =	ssyncset.done $0x0  }
0x135: {  	s10 =	simm.s32 $0xC;
	[sflag:s31] =	ssyncadd.s32 $0xFFFFFFB0  }
0x136: {  	_ =	swait.ge [sflag:s10], $0x50  }
0x137: {  	[sflag:s10] =	ssyncset.done $0x0  }
0x138: {  	[sflag:s10] =	ssyncadd.s32 $0xFFFFFFB0  }
0x139: {  	[tilespmem:s7], [sflag:$0x14] =	stream.indirect.gather [hbm4b:s25+s29], $0x40, s19, s29, $0xb8;
	[tilespmem:$0x14140] =	vst v63  }
0x13a: {  	_ =	swait.ge [sflag:s11], $0x1400  }
0x13b: {  	[sflag:s11] =	ssyncset.done $0x0  }
0x13c: {  	s23 =	simm.s32 $0xA0A0;
	[sflag:s11] =	ssyncadd.s32 $0xFFFFEC00  }
0x13d: {  	[spmem:s2] =	stream.indirect.scatter.add.bf16 [tilespmem:s18], [sflag:$0x19], $0x40, s23, s29, $0xb8;
	[tilespmem:$0x14140] =	vst v63  }
0x13e: {  	_ =	swait.ge [sflag:s15], $0x1400  }
0x13f: {  	[sflag:s15] =	ssyncset.done $0x0;
	s4 =	rddreg [dreg:$0x1e]  }
0x140: {  	s31 =	simm.s32 @!p1 $0x9E20;
	[sflag:s15] =	ssyncadd.s32 $0xFFFFEC00;
	s4 =	sadd.s32 @!p1 s17, s4  }
0x141: {  	[tilespmem:s31], [sflag:$0x7] =	stream.linear.gather @!p1 [hbm4b:s4+s5], $0x50, $0x38;
	[tilespmem:$0x14140] =	vst v63  }
0x142: {  	s4 =	rddreg [dreg:$0x1d]  }
0x143: {  	s31 =	simm.s32 @!p1 $0xA0A0;
	s4 =	sadd.s32 @!p1 s17, s4  }
0x144: {  	[tilespmem:s31], [sflag:$0xF] =	stream.linear.gather @!p1 [hbm4b:s4+s5], $0x50, $0x38;
	[tilespmem:$0x14140] =	vst v63  }
0x145: {  	s31 =	simm.s32 $0x5  }
0x146: {  	_ =	swait.ge [sflag:s31], $0x50  }
0x147: {  	[sflag:s31] =	ssyncset.done $0x0  }
0x148: {  	[sflag:s31] =	ssyncadd.s32 $0xFFFFFFB0  }
0x149: {  	_ =	swait.ge [sflag:s13], $0x50  }
0x14a: {  	[sflag:s13] =	ssyncset.done $0x0  }
0x14b: {  	[sflag:s13] =	ssyncadd.s32 $0xFFFFFFB0  }
0x14c: {  	[tilespmem:s9], [sflag:$0x15] =	stream.indirect.gather [hbm4b:s25+s29], $0x40, s0, s29, $0xb8;
	[tilespmem:$0x14140] =	vst v63  }
0x14d: {  	_ =	swait.ge [sflag:s26], $0x1400  }
0x14e: {  	[sflag:s26] =	ssyncset.done $0x0  }
.Ltmp2:
0x14f: {  	[sflag:s26] =	ssyncadd.s32 $0xFFFFEC00;
	(pc) =	sbr.rel @p1 .LBB2_4-.Ltmp2, $4  }
0x150: {  	[spmem:s2] =	stream.indirect.scatter.add.bf16 [tilespmem:s12], [sflag:$0x19], $0x40, s6, s29, $0xb8;
	[tilespmem:$0x14140] =	vst v63  }
0x151: {  	_ =	swait.ge [sflag:s15], $0x1400  }
0x152: {  	s20 =	simm.s32 $0x9E70;
	[sflag:s15] =	ssyncset.done $0x0  }
0x153: {  	s5 =	simm.s32 $0x10540;
	s0 =	simm.s32 $0xA0F0;
	[sflag:s15] =	ssyncadd.s32 $0xFFFFEC00  }
0x154: {  	s4 =	rddreg [dreg:$0x1c]  }
0x155: {  	s19 =	rddreg [dreg:$0x1b];
	s4 =	sadd.s32 s17, s4  }
0x156: {  	[tilespmem:s20], [sflag:$0x8] =	stream.linear.gather [hbm4b:s4+s3], $0x50, $0x38;
	[tilespmem:$0x14140] =	vst v63  }
0x157: {  	s4 =	sadd.s32 s17, s19;
	s20 =	simm.s32 $0x6  }
0x158: {  	[tilespmem:s0], [sflag:$0x10] =	stream.linear.gather [hbm4b:s4+s3], $0x50, $0x38;
	[tilespmem:$0x14140] =	vst v63  }
0x159: {  	_ =	swait.ge [sflag:s20], $0x50  }
0x15a: {  	[sflag:s20] =	ssyncset.done $0x0  }
.Ltmp3:
0x15b: {  	s23 =	simm.s32 $0xE;
	[sflag:s20] =	ssyncadd.s32 $0xFFFFFFB0;
	(pc) =	sbr.rel .LBB2_2-.Ltmp3, $4  }
0x15c: {  	s31 =	simm.s32 $0x9DD0;
	s14 =	sadd.s32 $0x280, s14;
	_ =	swait.ge [sflag:s23], $0x50  }
0x15d: {  	s6 =	simm.s32 $0xA0F0;
	s10 =	simm.s32 $0x10540;
	[sflag:s23] =	ssyncset.done $0x0  }
0x15e: {  	s17 =	sadd.s32 $0x50, s17;
	s19 =	simm.s32 $0x9E70;
	[sflag:s23] =	ssyncadd.s32 $0xFFFFFFB0  }
0x15f: {  	[tilespmem:s5], [sflag:$0x16] =	stream.indirect.gather [hbm4b:s25+s29], $0x40, s31, s29, $0xb8;
	[tilespmem:$0x14140] =	vst v63  }
.LBB2_5:
0x160: {  	_ =	sfence.sel $0x180000  }
0x161: {  	[bflag:$0x0] =	sbarrier.arrive $0xFFFF  }
0x162: {  	_ =	strace $0x9000004A  }
0x163: {  	s0 =	stileid.u32;
	[bflag:$0x2] =	sbarrier.arrive $0xFFFF  }
0x164: {  	p0 =	sne.s32 s0, $0x0;
	s0 =	rddreg [dreg:$0x3]  }
0x165: {  	s0 =	sadd.s32 @!p0 $0x100000, s0  }
0x166: {  	[sflag:s0] =	ssyncadd.tile.s32 @!p0 $0x1;
	_ =	shalt  }
.Lfunc_end2:
_tile_overlayer_lowered:
.L_overlay_start_2:
0x167: {  	(tag) =	ssettag $0x2  }
0x168: {  	s0 =	rddreg [dreg:$0x0];
	s2 =	stileid.u32  }
0x169: {  	s1 =	rddreg [dreg:$0x1];
	p0 =	sne.s32 s2, $0x0  }
0x16a: {  	s3 =	rddreg [dreg:$0x2];
	[bflag:$0x3] =	sbarrier.arrive $0xFFFF;
	s2 =	simm.s32 @!p0 $0x1C19  }
0x16b: {  	[timem:s3], [sflag:s2] =	dma.local @!p0 [hbm:s0], s1  }
0x16c: {  	s0 =	simm.s32 @!p0 $0x19  }
0x16d: {  	_ =	swait.ge @!p0 [sflag:s0], s1  }
0x16e: {  	s1 =	ssub.s32 @!p0 $0x0, s1;
	[sflag:s0] =	ssyncset.done @!p0 $0x0  }
0x16f: {  	[sflag:s0] =	ssyncadd.s32 @!p0 s1  }
0x170: {  	[bflag:$0x3] =	sbarrier.arrive $0xFFFF  }
0x171: {  	_ =	shalt  }

</sc_bundles>
